<compile_context>
chip_gen: v7x
topology: tpu7x:2x2x1
jax: 0.10.2.dev20260603
libtpu: 0.0.44.dev20260713+nightly
codegen_flags: <defaults>
</compile_context>

<pallas_src>
import functools

import jax
import jax.numpy as jnp
from jax import lax
from jax.experimental import pallas as pl
from jax.experimental.pallas import tpu as pltpu
from jax.experimental.pallas import tpu_sc as plsc

_SIZE = 8192
_EMB = 256
_NB = 64
_N = 65536
_NC = 2
_NS = 16
_NW = _NC * _NS
_P = _N // _NW
_C = 128


_NBUF = 3
_NCHUNK = _P // _C


@functools.partial(
    pl.kernel,
    out_type=jax.ShapeDtypeStruct((_N, _EMB), jnp.float32),
    mesh=plsc.VectorSubcoreMesh(core_axis_name="c", subcore_axis_name="s"),
    compiler_params=pltpu.CompilerParams(needs_layout_passes=False),
    scratch_types=[
        pltpu.VMEM((_P,), jnp.int32),
        *[pltpu.VMEM((_C, _EMB), jnp.float32)] * _NBUF,
        *[pltpu.SemaphoreType.DMA] * _NBUF,
        *[pltpu.SemaphoreType.DMA] * _NBUF,
    ],
)
def _gather(idx_hbm, tbl_hbm, out_hbm, idx_v, *bs):
    bufs, gsems, wsems = bs[:_NBUF], bs[_NBUF:2 * _NBUF], bs[2 * _NBUF:]
    wid = lax.axis_index("s") * _NC + lax.axis_index("c")
    base = wid * _P
    pltpu.sync_copy(idx_hbm.at[pl.ds(base, _P)], idx_v)

    def start_gather(k):
        p = k % _NBUF
        pltpu.async_copy(
            tbl_hbm.at[idx_v.at[pl.ds(k * _C, _C)]], bufs[p], gsems[p]
        )

    def wait_gather(k):
        p = k % _NBUF
        pltpu.make_async_copy(
            tbl_hbm.at[idx_v.at[pl.ds(0, _C)]], bufs[p], gsems[p]
        ).wait()

    def start_write(k):
        p = k % _NBUF
        pltpu.async_copy(
            bufs[p], out_hbm.at[pl.ds(base + k * _C, _C), :], wsems[p]
        )

    def wait_write(k):
        p = k % _NBUF
        pltpu.make_async_copy(
            bufs[p], out_hbm.at[pl.ds(base, _C), :], wsems[p]
        ).wait()

    del wait_write
    for k in range(min(_NBUF - 1, _NCHUNK)):
        start_gather(k)
    for k in range(_NCHUNK):
        wait_gather(k)
        if k + _NBUF - 1 < _NCHUNK:
            start_gather(k + _NBUF - 1)
    start_write(0)
    pltpu.make_async_copy(
        bufs[0], out_hbm.at[pl.ds(base, _C), :], wsems[0]
    ).wait()


def kernel(indices, table):
    idx_flat = indices.reshape(-1).astype(jnp.int32)
    return _gather(idx_flat, table)

# --- scband reference (transcript-rebuilt; emitter-appended) ---
"""Pipeline reference for scband-codebook-77575699300703 (READ-ONLY COPY).

The authoritative reference and input builder live on the scoring server;
editing this copy changes nothing except your own understanding.
"""

import jax, jax.numpy as jnp
import numpy as np
import math

SIZE = 8192
EMB_DIM = 256

def setup_inputs(seed: int = 0) -> dict:
    key = jax.random.key(seed)
    k1, k2 = jax.random.split(key)
    indices = jax.random.randint(k1, (64, 32, 32), 0, SIZE, dtype=jnp.int64 if jax.config.jax_enable_x64 else jnp.int32)
    # kaiming_uniform_ init: bound = sqrt(6 / fan_in) with a=sqrt(5) default in torch gives
    # gain = sqrt(2/(1+5)) = sqrt(1/3); bound = gain * sqrt(3/fan_in) = sqrt(1/fan_in)
    fan_in = EMB_DIM
    bound = math.sqrt(1.0 / fan_in)
    table = jax.random.uniform(k2, (SIZE, EMB_DIM), minval=-bound, maxval=bound, dtype=jnp.float32)
    return {"indices": indices, "table": table}

def reference(indices, table):
    # lookup: x_q = embedding(indices) -> [..., h, w, c]
    x_q = jnp.take(table, indices, axis=0)
    # rearrange '... h w c -> ... c h w'
    x_q = jnp.moveaxis(x_q, -1, -3)
    return x_q

if __name__ == "__main__":
    import jax
    _d = setup_inputs()
    print(jax.jit(kernel)(*tuple(_d.values())))

</pallas_src>

<mosaic_0001>
#map = affine_map<(d0, d1) -> (0)>
#map1 = affine_map<(d0, d1) -> (0, 0)>
module attributes {stable_mosaic.version = 14 : i64} {
  func.func @_gather(%arg0: i32, %arg1: i32, %arg2: memref<65536xi32, #tpu.memory_space<hbm>>, %arg3: memref<8192x256xf32, #tpu.memory_space<hbm>>, %arg4: memref<65536x256xf32, #tpu.memory_space<hbm>>, %arg5: memref<2048xi32, #tpu.memory_space<vmem>>, %arg6: memref<128x256xf32, #tpu.memory_space<vmem>>, %arg7: memref<128x256xf32, #tpu.memory_space<vmem>>, %arg8: memref<128x256xf32, #tpu.memory_space<vmem>>, %arg9: memref<!tpu.dma_semaphore, #tpu.memory_space<semaphore_mem>>, %arg10: memref<!tpu.dma_semaphore, #tpu.memory_space<semaphore_mem>>, %arg11: memref<!tpu.dma_semaphore, #tpu.memory_space<semaphore_mem>>, %arg12: memref<!tpu.dma_semaphore, #tpu.memory_space<semaphore_mem>>, %arg13: memref<!tpu.dma_semaphore, #tpu.memory_space<semaphore_mem>>, %arg14: memref<!tpu.dma_semaphore, #tpu.memory_space<semaphore_mem>>) attributes {dimension_semantics = [#tpu.dimension_semantics<core_parallel>, #tpu.dimension_semantics<subcore_parallel>], iteration_bounds = array<i64: 2, 16>, scalar_prefetch = 0 : i64, scratch_operands = 10 : i64, tpu.core_type = #tpu.core_type<sc_vector_subcore>, window_params = [{transform_indices = #map}, {transform_indices = #map1}, {transform_indices = #map1}]} {
    %mul3A = arith.constant 2 : i32
    %mul3A_0 = arith.muli %arg1, %mul3A : i32
    %add3A = arith.addi %mul3A_0, %arg0 : i32
    %mul3A_1 = arith.constant 2048 : i32
    %mul3A_2 = arith.muli %add3A, %mul3A_1 : i32
    "tpu.region"() ({
      %run_scoped3A = tpu.sem_alloc : memref<!tpu.dma_semaphore, #tpu.memory_space<semaphore_mem>>
      %dma_start3A_171 = tpu.memref_slice %arg2[%mul3A_2] : memref<65536xi32, #tpu.memory_space<hbm>> -> memref<2048xi32, #tpu.memory_space<hbm>>
      %dma_start3A_172 = tpu.memref_slice %arg2[%mul3A_2] : memref<65536xi32, #tpu.memory_space<hbm>> -> memref<2048xi32, #tpu.memory_space<hbm>>
      tpu.enqueue_dma source(%dma_start3A_172 : memref<2048xi32, #tpu.memory_space<hbm>>) target(%arg5 : memref<2048xi32, #tpu.memory_space<vmem>>) target_semaphore(%run_scoped3A : memref<!tpu.dma_semaphore, #tpu.memory_space<semaphore_mem>>)
      %dma_wait3A_173 = tpu.memref_slice %arg2[%mul3A_2] : memref<65536xi32, #tpu.memory_space<hbm>> -> memref<2048xi32, #tpu.memory_space<hbm>>
      %dma_wait3A_174 = tpu.memref_slice %arg2[%mul3A_2] : memref<65536xi32, #tpu.memory_space<hbm>> -> memref<2048xi32, #tpu.memory_space<hbm>>
      tpu.wait_dma2 semaphore(%run_scoped3A : memref<!tpu.dma_semaphore, #tpu.memory_space<semaphore_mem>>) src(%dma_wait3A_174 : memref<2048xi32, #tpu.memory_space<hbm>>) dst(%arg5 : memref<2048xi32, #tpu.memory_space<vmem>>)
      tpu.yield
    }) : () -> ()
    %dma_start3A = arith.constant 0 : i32
    %dma_start3A_3 = tpu.memref_slice %arg5[%dma_start3A] : memref<2048xi32, #tpu.memory_space<vmem>> -> memref<128xi32, #tpu.memory_space<vmem>>
    %dma_start3A_4 = arith.constant 0 : i32
    %dma_start3A_5 = arith.constant 0 : i32
    %dma_start3A_6 = tpu.memref_slice %arg3[%dma_start3A_4, %dma_start3A_5] : memref<8192x256xf32, #tpu.memory_space<hbm>> -> memref<8192x256xf32, #tpu.memory_space<hbm>>
    tpu.enqueue_indirect_dma source(%dma_start3A_6 : memref<8192x256xf32, #tpu.memory_space<hbm>>) target(%arg6 : memref<128x256xf32, #tpu.memory_space<vmem>>) offsets(%dma_start3A_3 : memref<128xi32, #tpu.memory_space<vmem>>) semaphore(%arg9 : memref<!tpu.dma_semaphore, #tpu.memory_space<semaphore_mem>>)
    %dma_start3A_7 = arith.constant 128 : i32
    %dma_start3A_8 = tpu.memref_slice %arg5[%dma_start3A_7] : memref<2048xi32, #tpu.memory_space<vmem>> -> memref<128xi32, #tpu.memory_space<vmem>>
    %dma_start3A_9 = arith.constant 0 : i32
    %dma_start3A_10 = arith.constant 0 : i32
    %dma_start3A_11 = tpu.memref_slice %arg3[%dma_start3A_9, %dma_start3A_10] : memref<8192x256xf32, #tpu.memory_space<hbm>> -> memref<8192x256xf32, #tpu.memory_space<hbm>>
    tpu.enqueue_indirect_dma source(%dma_start3A_11 : memref<8192x256xf32, #tpu.memory_space<hbm>>) target(%arg7 : memref<128x256xf32, #tpu.memory_space<vmem>>) offsets(%dma_start3A_8 : memref<128xi32, #tpu.memory_space<vmem>>) semaphore(%arg10 : memref<!tpu.dma_semaphore, #tpu.memory_space<semaphore_mem>>)
    %dma_wait3A = arith.constant 0 : i32
    %dma_wait3A_12 = tpu.memref_slice %arg5[%dma_wait3A] : memref<2048xi32, #tpu.memory_space<vmem>> -> memref<128xi32, #tpu.memory_space<vmem>>
    %dma_wait3A_13 = arith.constant 0 : i32
    %dma_wait3A_14 = arith.constant 0 : i32
    %dma_wait3A_15 = tpu.memref_slice %arg3[%dma_wait3A_13, %dma_wait3A_14] : memref<8192x256xf32, #tpu.memory_space<hbm>> -> memref<8192x256xf32, #tpu.memory_space<hbm>>
    tpu.wait_indirect_dma semaphore(%arg9 : memref<!tpu.dma_semaphore, #tpu.memory_space<semaphore_mem>>) src(%dma_wait3A_15 : memref<8192x256xf32, #tpu.memory_space<hbm>>) dst(%arg6 : memref<128x256xf32, #tpu.memory_space<vmem>>)
    %dma_start3A_16 = arith.constant 256 : i32
    %dma_start3A_17 = tpu.memref_slice %arg5[%dma_start3A_16] : memref<2048xi32, #tpu.memory_space<vmem>> -> memref<128xi32, #tpu.memory_space<vmem>>
    %dma_start3A_18 = arith.constant 0 : i32
    %dma_start3A_19 = arith.constant 0 : i32
    %dma_start3A_20 = tpu.memref_slice %arg3[%dma_start3A_18, %dma_start3A_19] : memref<8192x256xf32, #tpu.memory_space<hbm>> -> memref<8192x256xf32, #tpu.memory_space<hbm>>
    tpu.enqueue_indirect_dma source(%dma_start3A_20 : memref<8192x256xf32, #tpu.memory_space<hbm>>) target(%arg8 : memref<128x256xf32, #tpu.memory_space<vmem>>) offsets(%dma_start3A_17 : memref<128xi32, #tpu.memory_space<vmem>>) semaphore(%arg11 : memref<!tpu.dma_semaphore, #tpu.memory_space<semaphore_mem>>)
    %dma_wait3A_21 = arith.constant 0 : i32
    %dma_wait3A_22 = tpu.memref_slice %arg5[%dma_wait3A_21] : memref<2048xi32, #tpu.memory_space<vmem>> -> memref<128xi32, #tpu.memory_space<vmem>>
    %dma_wait3A_23 = arith.constant 0 : i32
    %dma_wait3A_24 = arith.constant 0 : i32
    %dma_wait3A_25 = tpu.memref_slice %arg3[%dma_wait3A_23, %dma_wait3A_24] : memref<8192x256xf32, #tpu.memory_space<hbm>> -> memref<8192x256xf32, #tpu.memory_space<hbm>>
    tpu.wait_indirect_dma semaphore(%arg10 : memref<!tpu.dma_semaphore, #tpu.memory_space<semaphore_mem>>) src(%dma_wait3A_25 : memref<8192x256xf32, #tpu.memory_space<hbm>>) dst(%arg7 : memref<128x256xf32, #tpu.memory_space<vmem>>)
    %dma_start3A_26 = arith.constant 384 : i32
    %dma_start3A_27 = tpu.memref_slice %arg5[%dma_start3A_26] : memref<2048xi32, #tpu.memory_space<vmem>> -> memref<128xi32, #tpu.memory_space<vmem>>
    %dma_start3A_28 = arith.constant 0 : i32
    %dma_start3A_29 = arith.constant 0 : i32
    %dma_start3A_30 = tpu.memref_slice %arg3[%dma_start3A_28, %dma_start3A_29] : memref<8192x256xf32, #tpu.memory_space<hbm>> -> memref<8192x256xf32, #tpu.memory_space<hbm>>
    tpu.enqueue_indirect_dma source(%dma_start3A_30 : memref<8192x256xf32, #tpu.memory_space<hbm>>) target(%arg6 : memref<128x256xf32, #tpu.memory_space<vmem>>) offsets(%dma_start3A_27 : memref<128xi32, #tpu.memory_space<vmem>>) semaphore(%arg9 : memref<!tpu.dma_semaphore, #tpu.memory_space<semaphore_mem>>)
    %dma_wait3A_31 = arith.constant 0 : i32
    %dma_wait3A_32 = tpu.memref_slice %arg5[%dma_wait3A_31] : memref<2048xi32, #tpu.memory_space<vmem>> -> memref<128xi32, #tpu.memory_space<vmem>>
    %dma_wait3A_33 = arith.constant 0 : i32
    %dma_wait3A_34 = arith.constant 0 : i32
    %dma_wait3A_35 = tpu.memref_slice %arg3[%dma_wait3A_33, %dma_wait3A_34] : memref<8192x256xf32, #tpu.memory_space<hbm>> -> memref<8192x256xf32, #tpu.memory_space<hbm>>
    tpu.wait_indirect_dma semaphore(%arg11 : memref<!tpu.dma_semaphore, #tpu.memory_space<semaphore_mem>>) src(%dma_wait3A_35 : memref<8192x256xf32, #tpu.memory_space<hbm>>) dst(%arg8 : memref<128x256xf32, #tpu.memory_space<vmem>>)
    %dma_start3A_36 = arith.constant 512 : i32
    %dma_start3A_37 = tpu.memref_slice %arg5[%dma_start3A_36] : memref<2048xi32, #tpu.memory_space<vmem>> -> memref<128xi32, #tpu.memory_space<vmem>>
    %dma_start3A_38 = arith.constant 0 : i32
    %dma_start3A_39 = arith.constant 0 : i32
    %dma_start3A_40 = tpu.memref_slice %arg3[%dma_start3A_38, %dma_start3A_39] : memref<8192x256xf32, #tpu.memory_space<hbm>> -> memref<8192x256xf32, #tpu.memory_space<hbm>>
    tpu.enqueue_indirect_dma source(%dma_start3A_40 : memref<8192x256xf32, #tpu.memory_space<hbm>>) target(%arg7 : memref<128x256xf32, #tpu.memory_space<vmem>>) offsets(%dma_start3A_37 : memref<128xi32, #tpu.memory_space<vmem>>) semaphore(%arg10 : memref<!tpu.dma_semaphore, #tpu.memory_space<semaphore_mem>>)
    %dma_wait3A_41 = arith.constant 0 : i32
    %dma_wait3A_42 = tpu.memref_slice %arg5[%dma_wait3A_41] : memref<2048xi32, #tpu.memory_space<vmem>> -> memref<128xi32, #tpu.memory_space<vmem>>
    %dma_wait3A_43 = arith.constant 0 : i32
    %dma_wait3A_44 = arith.constant 0 : i32
    %dma_wait3A_45 = tpu.memref_slice %arg3[%dma_wait3A_43, %dma_wait3A_44] : memref<8192x256xf32, #tpu.memory_space<hbm>> -> memref<8192x256xf32, #tpu.memory_space<hbm>>
    tpu.wait_indirect_dma semaphore(%arg9 : memref<!tpu.dma_semaphore, #tpu.memory_space<semaphore_mem>>) src(%dma_wait3A_45 : memref<8192x256xf32, #tpu.memory_space<hbm>>) dst(%arg6 : memref<128x256xf32, #tpu.memory_space<vmem>>)
    %dma_start3A_46 = arith.constant 640 : i32
    %dma_start3A_47 = tpu.memref_slice %arg5[%dma_start3A_46] : memref<2048xi32, #tpu.memory_space<vmem>> -> memref<128xi32, #tpu.memory_space<vmem>>
    %dma_start3A_48 = arith.constant 0 : i32
    %dma_start3A_49 = arith.constant 0 : i32
    %dma_start3A_50 = tpu.memref_slice %arg3[%dma_start3A_48, %dma_start3A_49] : memref<8192x256xf32, #tpu.memory_space<hbm>> -> memref<8192x256xf32, #tpu.memory_space<hbm>>
    tpu.enqueue_indirect_dma source(%dma_start3A_50 : memref<8192x256xf32, #tpu.memory_space<hbm>>) target(%arg8 : memref<128x256xf32, #tpu.memory_space<vmem>>) offsets(%dma_start3A_47 : memref<128xi32, #tpu.memory_space<vmem>>) semaphore(%arg11 : memref<!tpu.dma_semaphore, #tpu.memory_space<semaphore_mem>>)
    %dma_wait3A_51 = arith.constant 0 : i32
    %dma_wait3A_52 = tpu.memref_slice %arg5[%dma_wait3A_51] : memref<2048xi32, #tpu.memory_space<vmem>> -> memref<128xi32, #tpu.memory_space<vmem>>
    %dma_wait3A_53 = arith.constant 0 : i32
    %dma_wait3A_54 = arith.constant 0 : i32
    %dma_wait3A_55 = tpu.memref_slice %arg3[%dma_wait3A_53, %dma_wait3A_54] : memref<8192x256xf32, #tpu.memory_space<hbm>> -> memref<8192x256xf32, #tpu.memory_space<hbm>>
    tpu.wait_indirect_dma semaphore(%arg10 : memref<!tpu.dma_semaphore, #tpu.memory_space<semaphore_mem>>) src(%dma_wait3A_55 : memref<8192x256xf32, #tpu.memory_space<hbm>>) dst(%arg7 : memref<128x256xf32, #tpu.memory_space<vmem>>)
    %dma_start3A_56 = arith.constant 768 : i32
    %dma_start3A_57 = tpu.memref_slice %arg5[%dma_start3A_56] : memref<2048xi32, #tpu.memory_space<vmem>> -> memref<128xi32, #tpu.memory_space<vmem>>
    %dma_start3A_58 = arith.constant 0 : i32
    %dma_start3A_59 = arith.constant 0 : i32
    %dma_start3A_60 = tpu.memref_slice %arg3[%dma_start3A_58, %dma_start3A_59] : memref<8192x256xf32, #tpu.memory_space<hbm>> -> memref<8192x256xf32, #tpu.memory_space<hbm>>
    tpu.enqueue_indirect_dma source(%dma_start3A_60 : memref<8192x256xf32, #tpu.memory_space<hbm>>) target(%arg6 : memref<128x256xf32, #tpu.memory_space<vmem>>) offsets(%dma_start3A_57 : memref<128xi32, #tpu.memory_space<vmem>>) semaphore(%arg9 : memref<!tpu.dma_semaphore, #tpu.memory_space<semaphore_mem>>)
    %dma_wait3A_61 = arith.constant 0 : i32
    %dma_wait3A_62 = tpu.memref_slice %arg5[%dma_wait3A_61] : memref<2048xi32, #tpu.memory_space<vmem>> -> memref<128xi32, #tpu.memory_space<vmem>>
    %dma_wait3A_63 = arith.constant 0 : i32
    %dma_wait3A_64 = arith.constant 0 : i32
    %dma_wait3A_65 = tpu.memref_slice %arg3[%dma_wait3A_63, %dma_wait3A_64] : memref<8192x256xf32, #tpu.memory_space<hbm>> -> memref<8192x256xf32, #tpu.memory_space<hbm>>
    tpu.wait_indirect_dma semaphore(%arg11 : memref<!tpu.dma_semaphore, #tpu.memory_space<semaphore_mem>>) src(%dma_wait3A_65 : memref<8192x256xf32, #tpu.memory_space<hbm>>) dst(%arg8 : memref<128x256xf32, #tpu.memory_space<vmem>>)
    %dma_start3A_66 = arith.constant 896 : i32
    %dma_start3A_67 = tpu.memref_slice %arg5[%dma_start3A_66] : memref<2048xi32, #tpu.memory_space<vmem>> -> memref<128xi32, #tpu.memory_space<vmem>>
    %dma_start3A_68 = arith.constant 0 : i32
    %dma_start3A_69 = arith.constant 0 : i32
    %dma_start3A_70 = tpu.memref_slice %arg3[%dma_start3A_68, %dma_start3A_69] : memref<8192x256xf32, #tpu.memory_space<hbm>> -> memref<8192x256xf32, #tpu.memory_space<hbm>>
    tpu.enqueue_indirect_dma source(%dma_start3A_70 : memref<8192x256xf32, #tpu.memory_space<hbm>>) target(%arg7 : memref<128x256xf32, #tpu.memory_space<vmem>>) offsets(%dma_start3A_67 : memref<128xi32, #tpu.memory_space<vmem>>) semaphore(%arg10 : memref<!tpu.dma_semaphore, #tpu.memory_space<semaphore_mem>>)
    %dma_wait3A_71 = arith.constant 0 : i32
    %dma_wait3A_72 = tpu.memref_slice %arg5[%dma_wait3A_71] : memref<2048xi32, #tpu.memory_space<vmem>> -> memref<128xi32, #tpu.memory_space<vmem>>
    %dma_wait3A_73 = arith.constant 0 : i32
    %dma_wait3A_74 = arith.constant 0 : i32
    %dma_wait3A_75 = tpu.memref_slice %arg3[%dma_wait3A_73, %dma_wait3A_74] : memref<8192x256xf32, #tpu.memory_space<hbm>> -> memref<8192x256xf32, #tpu.memory_space<hbm>>
    tpu.wait_indirect_dma semaphore(%arg9 : memref<!tpu.dma_semaphore, #tpu.memory_space<semaphore_mem>>) src(%dma_wait3A_75 : memref<8192x256xf32, #tpu.memory_space<hbm>>) dst(%arg6 : memref<128x256xf32, #tpu.memory_space<vmem>>)
    %dma_start3A_76 = arith.constant 1024 : i32
    %dma_start3A_77 = tpu.memref_slice %arg5[%dma_start3A_76] : memref<2048xi32, #tpu.memory_space<vmem>> -> memref<128xi32, #tpu.memory_space<vmem>>
    %dma_start3A_78 = arith.constant 0 : i32
    %dma_start3A_79 = arith.constant 0 : i32
    %dma_start3A_80 = tpu.memref_slice %arg3[%dma_start3A_78, %dma_start3A_79] : memref<8192x256xf32, #tpu.memory_space<hbm>> -> memref<8192x256xf32, #tpu.memory_space<hbm>>
    tpu.enqueue_indirect_dma source(%dma_start3A_80 : memref<8192x256xf32, #tpu.memory_space<hbm>>) target(%arg8 : memref<128x256xf32, #tpu.memory_space<vmem>>) offsets(%dma_start3A_77 : memref<128xi32, #tpu.memory_space<vmem>>) semaphore(%arg11 : memref<!tpu.dma_semaphore, #tpu.memory_space<semaphore_mem>>)
    %dma_wait3A_81 = arith.constant 0 : i32
    %dma_wait3A_82 = tpu.memref_slice %arg5[%dma_wait3A_81] : memref<2048xi32, #tpu.memory_space<vmem>> -> memref<128xi32, #tpu.memory_space<vmem>>
    %dma_wait3A_83 = arith.constant 0 : i32
    %dma_wait3A_84 = arith.constant 0 : i32
    %dma_wait3A_85 = tpu.memref_slice %arg3[%dma_wait3A_83, %dma_wait3A_84] : memref<8192x256xf32, #tpu.memory_space<hbm>> -> memref<8192x256xf32, #tpu.memory_space<hbm>>
    tpu.wait_indirect_dma semaphore(%arg10 : memref<!tpu.dma_semaphore, #tpu.memory_space<semaphore_mem>>) src(%dma_wait3A_85 : memref<8192x256xf32, #tpu.memory_space<hbm>>) dst(%arg7 : memref<128x256xf32, #tpu.memory_space<vmem>>)
    %dma_start3A_86 = arith.constant 1152 : i32
    %dma_start3A_87 = tpu.memref_slice %arg5[%dma_start3A_86] : memref<2048xi32, #tpu.memory_space<vmem>> -> memref<128xi32, #tpu.memory_space<vmem>>
    %dma_start3A_88 = arith.constant 0 : i32
    %dma_start3A_89 = arith.constant 0 : i32
    %dma_start3A_90 = tpu.memref_slice %arg3[%dma_start3A_88, %dma_start3A_89] : memref<8192x256xf32, #tpu.memory_space<hbm>> -> memref<8192x256xf32, #tpu.memory_space<hbm>>
    tpu.enqueue_indirect_dma source(%dma_start3A_90 : memref<8192x256xf32, #tpu.memory_space<hbm>>) target(%arg6 : memref<128x256xf32, #tpu.memory_space<vmem>>) offsets(%dma_start3A_87 : memref<128xi32, #tpu.memory_space<vmem>>) semaphore(%arg9 : memref<!tpu.dma_semaphore, #tpu.memory_space<semaphore_mem>>)
    %dma_wait3A_91 = arith.constant 0 : i32
    %dma_wait3A_92 = tpu.memref_slice %arg5[%dma_wait3A_91] : memref<2048xi32, #tpu.memory_space<vmem>> -> memref<128xi32, #tpu.memory_space<vmem>>
    %dma_wait3A_93 = arith.constant 0 : i32
    %dma_wait3A_94 = arith.constant 0 : i32
    %dma_wait3A_95 = tpu.memref_slice %arg3[%dma_wait3A_93, %dma_wait3A_94] : memref<8192x256xf32, #tpu.memory_space<hbm>> -> memref<8192x256xf32, #tpu.memory_space<hbm>>
    tpu.wait_indirect_dma semaphore(%arg11 : memref<!tpu.dma_semaphore, #tpu.memory_space<semaphore_mem>>) src(%dma_wait3A_95 : memref<8192x256xf32, #tpu.memory_space<hbm>>) dst(%arg8 : memref<128x256xf32, #tpu.memory_space<vmem>>)
    %dma_start3A_96 = arith.constant 1280 : i32
    %dma_start3A_97 = tpu.memref_slice %arg5[%dma_start3A_96] : memref<2048xi32, #tpu.memory_space<vmem>> -> memref<128xi32, #tpu.memory_space<vmem>>
    %dma_start3A_98 = arith.constant 0 : i32
    %dma_start3A_99 = arith.constant 0 : i32
    %dma_start3A_100 = tpu.memref_slice %arg3[%dma_start3A_98, %dma_start3A_99] : memref<8192x256xf32, #tpu.memory_space<hbm>> -> memref<8192x256xf32, #tpu.memory_space<hbm>>
    tpu.enqueue_indirect_dma source(%dma_start3A_100 : memref<8192x256xf32, #tpu.memory_space<hbm>>) target(%arg7 : memref<128x256xf32, #tpu.memory_space<vmem>>) offsets(%dma_start3A_97 : memref<128xi32, #tpu.memory_space<vmem>>) semaphore(%arg10 : memref<!tpu.dma_semaphore, #tpu.memory_space<semaphore_mem>>)
    %dma_wait3A_101 = arith.constant 0 : i32
    %dma_wait3A_102 = tpu.memref_slice %arg5[%dma_wait3A_101] : memref<2048xi32, #tpu.memory_space<vmem>> -> memref<128xi32, #tpu.memory_space<vmem>>
    %dma_wait3A_103 = arith.constant 0 : i32
    %dma_wait3A_104 = arith.constant 0 : i32
    %dma_wait3A_105 = tpu.memref_slice %arg3[%dma_wait3A_103, %dma_wait3A_104] : memref<8192x256xf32, #tpu.memory_space<hbm>> -> memref<8192x256xf32, #tpu.memory_space<hbm>>
    tpu.wait_indirect_dma semaphore(%arg9 : memref<!tpu.dma_semaphore, #tpu.memory_space<semaphore_mem>>) src(%dma_wait3A_105 : memref<8192x256xf32, #tpu.memory_space<hbm>>) dst(%arg6 : memref<128x256xf32, #tpu.memory_space<vmem>>)
    %dma_start3A_106 = arith.constant 1408 : i32
    %dma_start3A_107 = tpu.memref_slice %arg5[%dma_start3A_106] : memref<2048xi32, #tpu.memory_space<vmem>> -> memref<128xi32, #tpu.memory_space<vmem>>
    %dma_start3A_108 = arith.constant 0 : i32
    %dma_start3A_109 = arith.constant 0 : i32
    %dma_start3A_110 = tpu.memref_slice %arg3[%dma_start3A_108, %dma_start3A_109] : memref<8192x256xf32, #tpu.memory_space<hbm>> -> memref<8192x256xf32, #tpu.memory_space<hbm>>
    tpu.enqueue_indirect_dma source(%dma_start3A_110 : memref<8192x256xf32, #tpu.memory_space<hbm>>) target(%arg8 : memref<128x256xf32, #tpu.memory_space<vmem>>) offsets(%dma_start3A_107 : memref<128xi32, #tpu.memory_space<vmem>>) semaphore(%arg11 : memref<!tpu.dma_semaphore, #tpu.memory_space<semaphore_mem>>)
    %dma_wait3A_111 = arith.constant 0 : i32
    %dma_wait3A_112 = tpu.memref_slice %arg5[%dma_wait3A_111] : memref<2048xi32, #tpu.memory_space<vmem>> -> memref<128xi32, #tpu.memory_space<vmem>>
    %dma_wait3A_113 = arith.constant 0 : i32
    %dma_wait3A_114 = arith.constant 0 : i32
    %dma_wait3A_115 = tpu.memref_slice %arg3[%dma_wait3A_113, %dma_wait3A_114] : memref<8192x256xf32, #tpu.memory_space<hbm>> -> memref<8192x256xf32, #tpu.memory_space<hbm>>
    tpu.wait_indirect_dma semaphore(%arg10 : memref<!tpu.dma_semaphore, #tpu.memory_space<semaphore_mem>>) src(%dma_wait3A_115 : memref<8192x256xf32, #tpu.memory_space<hbm>>) dst(%arg7 : memref<128x256xf32, #tpu.memory_space<vmem>>)
    %dma_start3A_116 = arith.constant 1536 : i32
    %dma_start3A_117 = tpu.memref_slice %arg5[%dma_start3A_116] : memref<2048xi32, #tpu.memory_space<vmem>> -> memref<128xi32, #tpu.memory_space<vmem>>
    %dma_start3A_118 = arith.constant 0 : i32
    %dma_start3A_119 = arith.constant 0 : i32
    %dma_start3A_120 = tpu.memref_slice %arg3[%dma_start3A_118, %dma_start3A_119] : memref<8192x256xf32, #tpu.memory_space<hbm>> -> memref<8192x256xf32, #tpu.memory_space<hbm>>
    tpu.enqueue_indirect_dma source(%dma_start3A_120 : memref<8192x256xf32, #tpu.memory_space<hbm>>) target(%arg6 : memref<128x256xf32, #tpu.memory_space<vmem>>) offsets(%dma_start3A_117 : memref<128xi32, #tpu.memory_space<vmem>>) semaphore(%arg9 : memref<!tpu.dma_semaphore, #tpu.memory_space<semaphore_mem>>)
    %dma_wait3A_121 = arith.constant 0 : i32
    %dma_wait3A_122 = tpu.memref_slice %arg5[%dma_wait3A_121] : memref<2048xi32, #tpu.memory_space<vmem>> -> memref<128xi32, #tpu.memory_space<vmem>>
    %dma_wait3A_123 = arith.constant 0 : i32
    %dma_wait3A_124 = arith.constant 0 : i32
    %dma_wait3A_125 = tpu.memref_slice %arg3[%dma_wait3A_123, %dma_wait3A_124] : memref<8192x256xf32, #tpu.memory_space<hbm>> -> memref<8192x256xf32, #tpu.memory_space<hbm>>
    tpu.wait_indirect_dma semaphore(%arg11 : memref<!tpu.dma_semaphore, #tpu.memory_space<semaphore_mem>>) src(%dma_wait3A_125 : memref<8192x256xf32, #tpu.memory_space<hbm>>) dst(%arg8 : memref<128x256xf32, #tpu.memory_space<vmem>>)
    %dma_start3A_126 = arith.constant 1664 : i32
    %dma_start3A_127 = tpu.memref_slice %arg5[%dma_start3A_126] : memref<2048xi32, #tpu.memory_space<vmem>> -> memref<128xi32, #tpu.memory_space<vmem>>
    %dma_start3A_128 = arith.constant 0 : i32
    %dma_start3A_129 = arith.constant 0 : i32
    %dma_start3A_130 = tpu.memref_slice %arg3[%dma_start3A_128, %dma_start3A_129] : memref<8192x256xf32, #tpu.memory_space<hbm>> -> memref<8192x256xf32, #tpu.memory_space<hbm>>
    tpu.enqueue_indirect_dma source(%dma_start3A_130 : memref<8192x256xf32, #tpu.memory_space<hbm>>) target(%arg7 : memref<128x256xf32, #tpu.memory_space<vmem>>) offsets(%dma_start3A_127 : memref<128xi32, #tpu.memory_space<vmem>>) semaphore(%arg10 : memref<!tpu.dma_semaphore, #tpu.memory_space<semaphore_mem>>)
    %dma_wait3A_131 = arith.constant 0 : i32
    %dma_wait3A_132 = tpu.memref_slice %arg5[%dma_wait3A_131] : memref<2048xi32, #tpu.memory_space<vmem>> -> memref<128xi32, #tpu.memory_space<vmem>>
    %dma_wait3A_133 = arith.constant 0 : i32
    %dma_wait3A_134 = arith.constant 0 : i32
    %dma_wait3A_135 = tpu.memref_slice %arg3[%dma_wait3A_133, %dma_wait3A_134] : memref<8192x256xf32, #tpu.memory_space<hbm>> -> memref<8192x256xf32, #tpu.memory_space<hbm>>
    tpu.wait_indirect_dma semaphore(%arg9 : memref<!tpu.dma_semaphore, #tpu.memory_space<semaphore_mem>>) src(%dma_wait3A_135 : memref<8192x256xf32, #tpu.memory_space<hbm>>) dst(%arg6 : memref<128x256xf32, #tpu.memory_space<vmem>>)
    %dma_start3A_136 = arith.constant 1792 : i32
    %dma_start3A_137 = tpu.memref_slice %arg5[%dma_start3A_136] : memref<2048xi32, #tpu.memory_space<vmem>> -> memref<128xi32, #tpu.memory_space<vmem>>
    %dma_start3A_138 = arith.constant 0 : i32
    %dma_start3A_139 = arith.constant 0 : i32
    %dma_start3A_140 = tpu.memref_slice %arg3[%dma_start3A_138, %dma_start3A_139] : memref<8192x256xf32, #tpu.memory_space<hbm>> -> memref<8192x256xf32, #tpu.memory_space<hbm>>
    tpu.enqueue_indirect_dma source(%dma_start3A_140 : memref<8192x256xf32, #tpu.memory_space<hbm>>) target(%arg8 : memref<128x256xf32, #tpu.memory_space<vmem>>) offsets(%dma_start3A_137 : memref<128xi32, #tpu.memory_space<vmem>>) semaphore(%arg11 : memref<!tpu.dma_semaphore, #tpu.memory_space<semaphore_mem>>)
    %dma_wait3A_141 = arith.constant 0 : i32
    %dma_wait3A_142 = tpu.memref_slice %arg5[%dma_wait3A_141] : memref<2048xi32, #tpu.memory_space<vmem>> -> memref<128xi32, #tpu.memory_space<vmem>>
    %dma_wait3A_143 = arith.constant 0 : i32
    %dma_wait3A_144 = arith.constant 0 : i32
    %dma_wait3A_145 = tpu.memref_slice %arg3[%dma_wait3A_143, %dma_wait3A_144] : memref<8192x256xf32, #tpu.memory_space<hbm>> -> memref<8192x256xf32, #tpu.memory_space<hbm>>
    tpu.wait_indirect_dma semaphore(%arg10 : memref<!tpu.dma_semaphore, #tpu.memory_space<semaphore_mem>>) src(%dma_wait3A_145 : memref<8192x256xf32, #tpu.memory_space<hbm>>) dst(%arg7 : memref<128x256xf32, #tpu.memory_space<vmem>>)
    %dma_start3A_146 = arith.constant 1920 : i32
    %dma_start3A_147 = tpu.memref_slice %arg5[%dma_start3A_146] : memref<2048xi32, #tpu.memory_space<vmem>> -> memref<128xi32, #tpu.memory_space<vmem>>
    %dma_start3A_148 = arith.constant 0 : i32
    %dma_start3A_149 = arith.constant 0 : i32
    %dma_start3A_150 = tpu.memref_slice %arg3[%dma_start3A_148, %dma_start3A_149] : memref<8192x256xf32, #tpu.memory_space<hbm>> -> memref<8192x256xf32, #tpu.memory_space<hbm>>
    tpu.enqueue_indirect_dma source(%dma_start3A_150 : memref<8192x256xf32, #tpu.memory_space<hbm>>) target(%arg6 : memref<128x256xf32, #tpu.memory_space<vmem>>) offsets(%dma_start3A_147 : memref<128xi32, #tpu.memory_space<vmem>>) semaphore(%arg9 : memref<!tpu.dma_semaphore, #tpu.memory_space<semaphore_mem>>)
    %dma_wait3A_151 = arith.constant 0 : i32
    %dma_wait3A_152 = tpu.memref_slice %arg5[%dma_wait3A_151] : memref<2048xi32, #tpu.memory_space<vmem>> -> memref<128xi32, #tpu.memory_space<vmem>>
    %dma_wait3A_153 = arith.constant 0 : i32
    %dma_wait3A_154 = arith.constant 0 : i32
    %dma_wait3A_155 = tpu.memref_slice %arg3[%dma_wait3A_153, %dma_wait3A_154] : memref<8192x256xf32, #tpu.memory_space<hbm>> -> memref<8192x256xf32, #tpu.memory_space<hbm>>
    tpu.wait_indirect_dma semaphore(%arg11 : memref<!tpu.dma_semaphore, #tpu.memory_space<semaphore_mem>>) src(%dma_wait3A_155 : memref<8192x256xf32, #tpu.memory_space<hbm>>) dst(%arg8 : memref<128x256xf32, #tpu.memory_space<vmem>>)
    %dma_wait3A_156 = arith.constant 0 : i32
    %dma_wait3A_157 = tpu.memref_slice %arg5[%dma_wait3A_156] : memref<2048xi32, #tpu.memory_space<vmem>> -> memref<128xi32, #tpu.memory_space<vmem>>
    %dma_wait3A_158 = arith.constant 0 : i32
    %dma_wait3A_159 = arith.constant 0 : i32
    %dma_wait3A_160 = tpu.memref_slice %arg3[%dma_wait3A_158, %dma_wait3A_159] : memref<8192x256xf32, #tpu.memory_space<hbm>> -> memref<8192x256xf32, #tpu.memory_space<hbm>>
    tpu.wait_indirect_dma semaphore(%arg9 : memref<!tpu.dma_semaphore, #tpu.memory_space<semaphore_mem>>) src(%dma_wait3A_160 : memref<8192x256xf32, #tpu.memory_space<hbm>>) dst(%arg6 : memref<128x256xf32, #tpu.memory_space<vmem>>)
    %add3A_161 = arith.constant 0 : i32
    %add3A_162 = arith.addi %mul3A_2, %add3A_161 : i32
    %dma_start3A_163 = arith.constant 0 : i32
    %dma_start3A_164 = tpu.memref_slice %arg4[%add3A_162, %dma_start3A_163] : memref<65536x256xf32, #tpu.memory_space<hbm>> -> memref<128x256xf32, #tpu.memory_space<hbm>>
    %dma_start3A_165 = arith.constant 0 : i32
    %dma_start3A_166 = tpu.memref_slice %arg4[%add3A_162, %dma_start3A_165] : memref<65536x256xf32, #tpu.memory_space<hbm>> -> memref<128x256xf32, #tpu.memory_space<hbm>>
    tpu.enqueue_dma source(%arg6 : memref<128x256xf32, #tpu.memory_space<vmem>>) target(%dma_start3A_166 : memref<128x256xf32, #tpu.memory_space<hbm>>) target_semaphore(%arg12 : memref<!tpu.dma_semaphore, #tpu.memory_space<semaphore_mem>>)
    %dma_wait3A_167 = arith.constant 0 : i32
    %dma_wait3A_168 = tpu.memref_slice %arg4[%mul3A_2, %dma_wait3A_167] : memref<65536x256xf32, #tpu.memory_space<hbm>> -> memref<128x256xf32, #tpu.memory_space<hbm>>
    %dma_wait3A_169 = arith.constant 0 : i32
    %dma_wait3A_170 = tpu.memref_slice %arg4[%mul3A_2, %dma_wait3A_169] : memref<65536x256xf32, #tpu.memory_space<hbm>> -> memref<128x256xf32, #tpu.memory_space<hbm>>
    tpu.wait_dma2 semaphore(%arg12 : memref<!tpu.dma_semaphore, #tpu.memory_space<semaphore_mem>>) src(%arg6 : memref<128x256xf32, #tpu.memory_space<vmem>>) dst(%dma_wait3A_170 : memref<128x256xf32, #tpu.memory_space<hbm>>)
    return
  }
}

</mosaic_0001>

<sc_bundles>
// kernel: kernel.3.cloned.1.call-start
scs
__scs_entry_jumppad:
0x0: {  	(pc) =	sbr.rel $0x88, $3  }
0x1: {  	(tag) =	ssettag $0x0;
	lr =	simm.s32 $0x1  }
0x2: {  	[smem:$0x3F9F] =	sst lr;
	_ =	strace $0xD0000000  }
0x3: {  	_ = 	snop  }
0x4: {  	_ = 	snop  }
0x5: {  	_ = 	snop  }
0x6: {  	_ = 	snop  }
0x7: {  	_ = 	snop  }
__scs_overlays_trampoline_lowered:
0x8: {  	[smem:$0x3FAE] =	sst s0  }
0x9: {  	[smem:$0x3FAF] =	sst s1  }
0xa: {  	[smem:$0x3FB0] =	sst s2  }
0xb: {  	[smem:$0x3FB1] =	sst s3  }
0xc: {  	[smem:$0x3FB2] =	sst s4  }
0xd: {  	[smem:$0x3FB3] =	sst s5  }
0xe: {  	[smem:$0x3FB4] =	sst s6  }
0xf: {  	[smem:$0x3FB5] =	sst s7  }
0x10: {  	[smem:$0x3FB6] =	sst s8  }
0x11: {  	[smem:$0x3FB7] =	sst s9;
	s0 =	simm.s32 @!p0 $0x0  }
0x12: {  	s1 =	sld [smem:$0x3F9D];
	s0 =	simm.s32 @p0 $0x1  }
0x13: {  	[smem:$0x3FB8] =	sst s0;
	s0 =	simm.s32 @!p1 $0x0  }
0x14: {  	s2 =	sld [smem:$0x3F9C];
	s0 =	simm.s32 @p1 $0x1  }
0x15: {  	[smem:$0x3FB9] =	sst s0;
	s0 =	simm.s32 @!p2 $0x0  }
0x16: {  	s3 =	sld [smem:$0x3FDB];
	s0 =	simm.s32 @p2 $0x1  }
0x17: {  	s4 =	simm.s32 $0x1BF5;
	[smem:$0x3FBB] =	sst s0  }
0x18: {  	s0 =	sld [smem:$0x3F9E];
	_ =	swait.ge [sflag:s4], $0x0  }
0x19: {  	s7 =	sld [smem:$0x3F9F]  }
0x1a: {  	s8 =	sadd.s32 $0xFFFFE003, lr  }
0x1b: {  	s9 =	sadd.s32 $0xFFFFFEF7, lr;
	s5 =	simm.s32 $0xFFFFFFFF;
	p2 =	slt.u32 s8, $0xFFFFF086  }
0x1c: {  	p1 =	slt.u32 s9, $0xF7A;
	s5 =	simm.s32 @!p2 $0x0  }
0x1d: {  	s5 =	simm.s32 @p1 $0x1;
	p0 =	seq.s32 s7, s2  }
0x1e: {  	s7 =	smul.u32 @!p0 $0xF7A, s2;
	p2 =	seq.s32 @!p0 s5, $0x0  }
0x1f: {  	s9 =	smul.u32 $0xF7A, s1;
	s8 =	simm.s32 @!p0 $0x1BF5;
	p2 =	por !p2, p0  }
0x20: {  	[sflag:s8] =	ssyncset.s32 @!p0 $0xFFFFF086;
	s6 =	sadd.s32 @!p0 s3, s7;
	s7 =	simm.s32 @!p0 $0x108  }
0x21: {  	s3 =	sadd.s32 s3, s9;
	s6 =	sadd.s32 @!p0 $0x88, s6;
	s7 =	simm.s32 @p2 $0x1082  }
0x22: {  	[simem:s7], [sflag:s8] =	dma.local @!p0 [hbm:s6], $0xF7A  }
0x23: {  	s9 =	sor.u32 $0xD0000000, s2;
	s6 =	simm.s32 $0x108;
	_ =	swait.ge @!p0 [sflag:s8], $0x0  }
0x24: {  	s3 =	sadd.s32 $0x88, s3;
	s6 =	simm.s32 @!p1 $0x1082;
	[sflag:s4] =	ssyncset.s32 $0xFFFFF086  }
0x25: {  	[simem:s6], [sflag:s4] =	dma.local [hbm:s3], $0xF7A  }
0x26: {  	[smem:$0x3F9F] =	sst s1;
	(tag) =	ssettag s2;
	_ =	strace s9  }
0x27: {  	s1 =	sld [smem:$0x3FAF]  }
0x28: {  	s2 =	sld [smem:$0x3FB0]  }
0x29: {  	s4 =	sld [smem:$0x3FB2]  }
0x2a: {  	p0 =	seq.s32 s5, $0x0;
	s5 =	sld [smem:$0x3FB3]  }
0x2b: {  	s6 =	sld [smem:$0x3FB4]  }
0x2c: {  	s7 =	sld [smem:$0x3FB5]  }
0x2d: {  	s3 =	simm.s32 $0x108;
	s8 =	sld [smem:$0x3FB6]  }
0x2e: {  	s3 =	simm.s32 @!p0 $0x1082;
	s9 =	sld [smem:$0x3FB7]  }
0x2f: {  	lr =	sadd.s32 s0, s3;
	s0 =	sld [smem:$0x3FAE]  }
0x30: {  	s3 =	sld [smem:$0x3FB1]  }
0x31: {  	[smem:$0x3FBA] =	sst s10  }
0x32: {  	s10 =	sld [smem:$0x3FB8];
	_ =	sdelay $0x3  }
0x33: {  	p0 =	seq.s32 s10, $0x1;
	s10 =	sld [smem:$0x3FBA];
	_ =	sdelay $0x3  }
0x34: {  	[smem:$0x3FBA] =	sst s10  }
0x35: {  	s10 =	sld [smem:$0x3FB9];
	_ =	sdelay $0x3  }
0x36: {  	p1 =	seq.s32 s10, $0x1;
	s10 =	sld [smem:$0x3FBA];
	_ =	sdelay $0x3  }
0x37: {  	[smem:$0x3FBA] =	sst s10  }
0x38: {  	s10 =	sld [smem:$0x3FBB]  }
0x39: {  	_ = 	snop;
	(pc) =	sbr.ind lr, $3  }
0x3a: {  	_ = 	snop  }
0x3b: {  	_ = 	snop  }
0x3c: {  	p2 =	seq.s32 s10, $0x1;
	s10 =	sld [smem:$0x3FBA]  }
0x3d: {  	_ =	shalt  }
0x3e: {  	_ =	shalt  }
0x3f: {  	_ =	shalt  }
0x40: {  	_ =	shalt  }
0x41: {  	_ =	shalt  }
0x42: {  	_ =	shalt  }
0x43: {  	_ =	shalt  }
0x44: {  	_ =	shalt  }
0x45: {  	_ =	shalt  }
0x46: {  	_ =	shalt  }
0x47: {  	_ =	shalt  }
0x48: {  	_ =	shalt  }
0x49: {  	_ =	shalt  }
0x4a: {  	_ =	shalt  }
0x4b: {  	_ =	shalt  }
0x4c: {  	_ =	shalt  }
0x4d: {  	_ =	shalt  }
0x4e: {  	_ =	shalt  }
0x4f: {  	_ =	shalt  }
0x50: {  	_ =	shalt  }
0x51: {  	_ =	shalt  }
0x52: {  	_ =	shalt  }
0x53: {  	_ =	shalt  }
0x54: {  	_ =	shalt  }
0x55: {  	_ =	shalt  }
0x56: {  	_ =	shalt  }
0x57: {  	_ =	shalt  }
0x58: {  	_ =	shalt  }
0x59: {  	_ =	shalt  }
0x5a: {  	_ =	shalt  }
0x5b: {  	_ =	shalt  }
0x5c: {  	_ =	shalt  }
0x5d: {  	_ =	shalt  }
0x5e: {  	_ =	shalt  }
0x5f: {  	_ =	shalt  }
0x60: {  	_ =	shalt  }
0x61: {  	_ =	shalt  }
0x62: {  	_ =	shalt  }
0x63: {  	_ =	shalt  }
0x64: {  	_ =	shalt  }
0x65: {  	_ =	shalt  }
0x66: {  	_ =	shalt  }
0x67: {  	_ =	shalt  }
0x68: {  	_ =	shalt  }
0x69: {  	_ =	shalt  }
0x6a: {  	_ =	shalt  }
0x6b: {  	_ =	shalt  }
0x6c: {  	_ =	shalt  }
0x6d: {  	_ =	shalt  }
0x6e: {  	_ =	shalt  }
0x6f: {  	_ =	shalt  }
0x70: {  	_ =	shalt  }
0x71: {  	_ =	shalt  }
0x72: {  	_ =	shalt  }
0x73: {  	_ =	shalt  }
0x74: {  	_ =	shalt  }
0x75: {  	_ =	shalt  }
0x76: {  	_ =	shalt  }
0x77: {  	_ =	shalt  }
0x78: {  	_ =	shalt  }
0x79: {  	_ =	shalt  }
0x7a: {  	_ =	shalt  }
0x7b: {  	_ =	shalt  }
0x7c: {  	_ =	shalt  }
0x7d: {  	_ =	shalt  }
0x7e: {  	_ =	shalt  }
0x7f: {  	_ =	shalt  }
0x80: {  	_ =	shalt  }
0x81: {  	_ =	shalt  }
0x82: {  	_ =	shalt  }
0x83: {  	_ =	shalt  }
0x84: {  	_ =	shalt  }
0x85: {  	_ =	shalt  }
0x86: {  	_ =	shalt  }
0x87: {  	_ =	shalt  }
.Lfunc_end0:
.L_simem_size_0:
called_computation_lowered:
.L_overlay_start_0:
0x88: {  	s2 =	sld [smem:$0x3FD9]  }
0x89: {  	s3 =	sld [smem:$0x3FFE];
	_ =	sdelay $0x1  }
0x8a: {  	s1 =	srdreg.scid  }
0x8b: {  	s0 =	sand.u32 $0x1, s1  }
0x8c: {  	s17 =	sshll.u32 s0, $0xA;
	s2 =	sadd.s32 s3, s2  }
0x8d: {  	s2 =	sadd.s32 s2, s17  }
0x8e: {  	[smem:$0x3FC6] =	sst s2  }
0x8f: {  	_ = 	snop  }
0x90: {  	s2 =	sld [smem:$0x3FC8]  }
0x91: {  	s18 =	sld [smem:$0x3FD0];
	(tm) =	ssettm $0x1  }
0x92: {  	s4 =	sld [smem:$0x3FFB];
	_ =	sdelay $0x3  }
0x93: {  	_ =	strace s4  }
0x94: {  	s4 =	sld [smem:$0x3FFC];
	_ =	sdelay $0x3  }
0x95: {  	_ =	strace s4  }
0x96: {  	s4 =	sld [smem:$0x3FFD];
	_ =	sdelay $0x3  }
0x97: {  	_ =	strace s4  }
0x98: {  	_ =	strace $0x8FFFFFFF  }
0x99: {  	s19 =	sld [smem:$0x3FDB];
	_ =	sdelay $0x1  }
0x9a: {  	s5 =	simm.s32 $_scs_section_size  }
0x9b: {  	s6 =	simm.s32 $_size__tile_overlayer_lowered;
	s7 =	simm.s32 $_tile_overlayer_lowered  }
0x9c: {  	s22 =	simm.s32 $0x1BFF;
	s21 =	sshll.u32 s7, $0x1;
	s4 =	sadd.s32 s5, s19  }
0x9d: {  	s8 =	simm.s32 $0x0;
	s20 =	sshll.u32 s6, $0x1;
	s6 =	sadd.s32 s21, s4  }
0x9e: {  	[timem:s8], [sflag:s22] =	dma.local [hbm:s6], s20  }
0x9f: {  	_ =	swait.ge [sflag:s22], s20  }
0xa0: {  	s5 =	ssub.s32 $0x0, s20;
	[sflag:s22] =	ssyncset.done $0x0  }
0xa1: {  	[sflag:s22] =	ssyncadd.s32 s5;
	_ =	sdelay $0x1  }
0xa2: {  	s23 =	simm.s32 $0x1B8B  }
0xa3: {  	_ =	swait.ge [sflag:s23], $0x1  }
0xa4: {  	[sflag:s23] =	ssyncset.done $0x0  }
0xa5: {  	s25 =	simm.s32 $0x1B8E;
	s24 =	sld [smem:$0x3FFE];
	[sflag:s23] =	ssyncadd.s32 $0xFFFFFFFF  }
0xa6: {  	s26 =	simm.s32 $execute0_lowered;
	[smem:$0x3FD2] =	sst s25  }
0xa7: {  	s6 =	sshll.u32 s26, $0x1;
	_ =	strace $0x80000046;
	[dreg:$0x1] =	wrdreg $0xFFFFFFFF  }
0xa8: {  	s28 =	simm.s32 $_size_execute0_lowered;
	s4 =	sadd.s32 s4, s6;
	[dreg:$0x0] =	wrdreg $0x0  }
0xa9: {  	s6 =	sshll.u32 s28, $0x1;
	[dreg:$0x2] =	wrdreg s4  }
0xaa: {  	[dreg:$0x3] =	wrdreg s6  }
0xab: {  	[dreg:$0x4] =	wrdreg $0xC0  }
0xac: {  	_ =	task [dreg:s8], $0x5FFFF  }
0xad: {  	[dreg:$0x1] =	wrdreg $0xFFFFFFFF  }
0xae: {  	[dreg:$0x0] =	wrdreg $0x60  }
0xaf: {  	[dreg:$0x2] =	wrdreg s24  }
0xb0: {  	[dreg:$0x3] =	wrdreg s2  }
0xb1: {  	[dreg:$0x4] =	wrdreg s18  }
0xb2: {  	[dreg:$0x5] =	wrdreg $0x9  }
0xb3: {  	_ =	task.clear_ibuf [dreg:s8], $0x6FFFF;
	_ =	strace $0x90000046  }
0xb4: {  	s29 =	simm.s32 $0x9;
	_ =	strace $0x80000048  }
0xb5: {  	_ =	swait.ge [sflag:s29], $0x1  }
0xb6: {  	[sflag:s29] =	ssyncadd.s32 $0xFFFFFFFF  }
0xb7: {  	_ =	strace $0x90000048  }
0xb8: {  	_ =	sfence  }
0xb9: {  	s30 =	sld [smem:$0x0];
	_ =	sdelay $0x2  }
0xba: {  	s31 =	sshll.u32 s1, $0xD;
	s1 =	sshrl.u32 s1, $0x2  }
0xbb: {  	s3 =	sand.u32 $0x4000, s31;
	s1 =	sadd.s32 s1, s30  }
0xbc: {  	s0 =	sor.u32 s3, s0;
	s1 =	sshll.u32 s1, $0x11  }
0xbd: {  	s0 =	sor.u32 s1, s0  }
0xbe: {  	s0 =	sadd.s32 $0x8F2B, s0  }
0xbf: {  	[sflag:s0] =	ssyncadd.remote.s32 $0x1  }
0xc0: {  	_ =	sfence.sel $0xFFFF  }
0xc1: {  	[dreg:$0x0] =	wrdreg $0xFFFFFFFF;
	(pc) =	sbr.abs _section_cstart, $3  }
0xc2: {  	[dreg:$0x1] =	wrdreg $0xFFFFFFFF  }
0xc3: {  	_ =	task.clear_ibuf [dreg:s8], $0x2FFFF;
	_ =	strace $0x9FFFFFFF  }
0xc4: {  	(tm) =	ssettm $0x7FFFFFFF  }
0xc5: {  	_ =	shalt  }
tec
execute0_lowered:
.L_overlay_start_1:
0x0: {  	(tag) =	ssettag $0x1  }
0x1: {  	s0 =	rddreg [dreg:$0x0]  }
0x2: {  	s1 =	srdreg.scid;
	s2 =	rddreg [dreg:$0x1]  }
0x3: {  	s3 =	stileid.u32;
	s4 =	rddreg [dreg:$0x2];
	s1 =	sand.u32 $0x1, s1  }
0x4: {  	s5 =	sshll.u32 s3, $0xC;
	s3 =	simm.s32 $0x0;
	s6 =	sshll.u32 s1, $0xB  }
0x5: {  	[smem:$0x7FF] =	sst s3;
	s1 =	ssub.s32 $0x2, s1;
	s5 =	sor.u32 s6, s5  }
0x6: {  	_ =	strace $0x80000047;
	s6 =	sshrl.u32 s5, $0x3;
	s5 =	sshll.u32 s5, $0x5  }
0x7: {  	v2 =	vlaneseq.u32;
	s30 =	sshrl.u32 s1, $0x1;
	s0 =	sadd.s32 s6, s0;
	s31 =	sadd.s32 s4, s5  }
0x8: {  	vm0 =	vmmov $0xffff;
	v1 =	vshrl.u32 v2, $0x3;
	s1 =	ssub.s32 s1, s30;
	s0 =	sadd.s32 $0x400, s0;
	[dreg:$0x5] =	wrdreg s31  }
0x9: {  	s26 =	simm.s32 $0x1;
	v0 =	vand.u32 $0x7, v2;
	v2 =	vor.u32 $0x8, v2;
	v1 =	vmul.u32 $0x8, v1;
	s4 =	smax.u32 s1, $0x1;
	[dreg:$0x4] =	wrdreg s0  }
.LBB2_1:
0xa: {  	[dreg:$0x6] =	wrdreg s4  }
0xb: {  	s22 =	rddreg [dreg:$0x4];
	s12 =	simm.s32 $0x5  }
0xc: {  	[tilespmem:s3], [sflag:$0x5] =	stream.linear.gather [hbm4b:s22+s3], $0x800, $0x38;
	[tilespmem:$0x18800] =	vst v63  }
0xd: {  	_ =	swait.ge [sflag:s12], $0x800  }
0xe: {  	[sflag:s12] =	ssyncset.done $0x0  }
0xf: {  	[sflag:s12] =	ssyncadd.s32 $0xFFFFF800  }
0x10: {  	v3 =	vld [tilespmem:$0x0];
	_ =	sdelay $0x4  }
0x11: {  	v4 =	vshll.u32 v3, $0x1  }
0x12: {  	v3 =	vand.u32 $0x7, v3;
	v4 =	vand.u32 $0xFFFFFFF0, v4  }
0x13: {  	v3 =	vor.u32 v3, v4  }
0x14: {  	v4 =	vperm.xlane v3, v0;
	_ =	sdelay $0x1  }
0x15: {  	v3 =	vperm.xlane v3, v2;
	v4 =	vadd.s32 v1, v4;
	_ =	sdelay $0x1  }
0x16: {  	v3 =	vadd.s32 v1, v3;
	_ =	sdelay $0x1  }
0x17: {  	s1 =	simm.s32 $0x800  }
0x18: {  	[tilespmem:s1], [sflag:$0x1] =	stream.indirect_vreg.gather [hbm4b:s2+s3], $0x80, v4, vm0, $0xb8;
	[tilespmem:$0x18800] =	vst v63  }
0x19: {  	s6 =	simm.s32 $0x1000  }
0x1a: {  	[tilespmem:s6], [sflag:$0x1] =	stream.indirect_vreg.gather [hbm4b:s2+s3], $0x80, v3, vm0, $0xb8;
	[tilespmem:$0x18800] =	vst v63  }
0x1b: {  	v3 =	vld [tilespmem:$0x10];
	_ =	sdelay $0x4  }
0x1c: {  	v49 =	vshll.u32 v3, $0x1  }
0x1d: {  	v3 =	vand.u32 $0x7, v3;
	v4 =	vand.u32 $0xFFFFFFF0, v49  }
0x1e: {  	v3 =	vor.u32 v3, v4  }
0x1f: {  	v4 =	vperm.xlane v3, v0;
	_ =	sdelay $0x1  }
0x20: {  	v3 =	vperm.xlane v3, v2;
	v4 =	vadd.s32 v1, v4;
	_ =	sdelay $0x1  }
0x21: {  	v3 =	vadd.s32 v1, v3;
	_ =	sdelay $0x1  }
0x22: {  	s13 =	simm.s32 $0x1800  }
0x23: {  	[tilespmem:s13], [sflag:$0x1] =	stream.indirect_vreg.gather [hbm4b:s2+s3], $0x80, v4, vm0, $0xb8;
	[tilespmem:$0x18800] =	vst v63  }
0x24: {  	s14 =	simm.s32 $0x2000  }
0x25: {  	[tilespmem:s14], [sflag:$0x1] =	stream.indirect_vreg.gather [hbm4b:s2+s3], $0x80, v3, vm0, $0xb8;
	[tilespmem:$0x18800] =	vst v63  }
0x26: {  	v3 =	vld [tilespmem:$0x20];
	_ =	sdelay $0x4  }
0x27: {  	v50 =	vshll.u32 v3, $0x1  }
0x28: {  	v3 =	vand.u32 $0x7, v3;
	v4 =	vand.u32 $0xFFFFFFF0, v50  }
0x29: {  	v3 =	vor.u32 v3, v4  }
0x2a: {  	v4 =	vperm.xlane v3, v0;
	_ =	sdelay $0x1  }
0x2b: {  	v3 =	vperm.xlane v3, v2;
	v4 =	vadd.s32 v1, v4;
	_ =	sdelay $0x1  }
0x2c: {  	v3 =	vadd.s32 v1, v3;
	_ =	sdelay $0x1  }
0x2d: {  	s15 =	simm.s32 $0x2800  }
0x2e: {  	[tilespmem:s15], [sflag:$0x1] =	stream.indirect_vreg.gather [hbm4b:s2+s3], $0x80, v4, vm0, $0xb8;
	[tilespmem:$0x18800] =	vst v63  }
0x2f: {  	s16 =	simm.s32 $0x3000  }
0x30: {  	[tilespmem:s16], [sflag:$0x1] =	stream.indirect_vreg.gather [hbm4b:s2+s3], $0x80, v3, vm0, $0xb8;
	[tilespmem:$0x18800] =	vst v63  }
0x31: {  	v3 =	vld [tilespmem:$0x30];
	_ =	sdelay $0x4  }
0x32: {  	v51 =	vshll.u32 v3, $0x1  }
0x33: {  	v3 =	vand.u32 $0x7, v3;
	v4 =	vand.u32 $0xFFFFFFF0, v51  }
0x34: {  	v3 =	vor.u32 v3, v4  }
0x35: {  	v4 =	vperm.xlane v3, v0;
	_ =	sdelay $0x1  }
0x36: {  	v3 =	vperm.xlane v3, v2;
	v4 =	vadd.s32 v1, v4;
	_ =	sdelay $0x1  }
0x37: {  	v3 =	vadd.s32 v1, v3;
	_ =	sdelay $0x1  }
0x38: {  	s17 =	simm.s32 $0x3800  }
0x39: {  	[tilespmem:s17], [sflag:$0x1] =	stream.indirect_vreg.gather [hbm4b:s2+s3], $0x80, v4, vm0, $0xb8;
	[tilespmem:$0x18800] =	vst v63  }
0x3a: {  	s18 =	simm.s32 $0x4000  }
0x3b: {  	[tilespmem:s18], [sflag:$0x1] =	stream.indirect_vreg.gather [hbm4b:s2+s3], $0x80, v3, vm0, $0xb8;
	[tilespmem:$0x18800] =	vst v63  }
0x3c: {  	v3 =	vld [tilespmem:$0x40];
	_ =	sdelay $0x4  }
0x3d: {  	v52 =	vshll.u32 v3, $0x1  }
0x3e: {  	v3 =	vand.u32 $0x7, v3;
	v4 =	vand.u32 $0xFFFFFFF0, v52  }
0x3f: {  	v3 =	vor.u32 v3, v4  }
0x40: {  	v4 =	vperm.xlane v3, v0;
	_ =	sdelay $0x1  }
0x41: {  	v3 =	vperm.xlane v3, v2;
	v4 =	vadd.s32 v1, v4;
	_ =	sdelay $0x1  }
0x42: {  	v3 =	vadd.s32 v1, v3;
	_ =	sdelay $0x1  }
0x43: {  	s19 =	simm.s32 $0x4800  }
0x44: {  	[tilespmem:s19], [sflag:$0x1] =	stream.indirect_vreg.gather [hbm4b:s2+s3], $0x80, v4, vm0, $0xb8;
	[tilespmem:$0x18800] =	vst v63  }
0x45: {  	s20 =	simm.s32 $0x5000  }
0x46: {  	[tilespmem:s20], [sflag:$0x1] =	stream.indirect_vreg.gather [hbm4b:s2+s3], $0x80, v3, vm0, $0xb8;
	[tilespmem:$0x18800] =	vst v63  }
0x47: {  	v3 =	vld [tilespmem:$0x50];
	_ =	sdelay $0x4  }
0x48: {  	v53 =	vshll.u32 v3, $0x1  }
0x49: {  	v3 =	vand.u32 $0x7, v3;
	v4 =	vand.u32 $0xFFFFFFF0, v53  }
0x4a: {  	v3 =	vor.u32 v3, v4  }
0x4b: {  	v4 =	vperm.xlane v3, v0;
	_ =	sdelay $0x1  }
0x4c: {  	v3 =	vperm.xlane v3, v2;
	v4 =	vadd.s32 v1, v4;
	_ =	sdelay $0x1  }
0x4d: {  	v3 =	vadd.s32 v1, v3;
	_ =	sdelay $0x1  }
0x4e: {  	s21 =	simm.s32 $0x5800  }
0x4f: {  	[tilespmem:s21], [sflag:$0x1] =	stream.indirect_vreg.gather [hbm4b:s2+s3], $0x80, v4, vm0, $0xb8;
	[tilespmem:$0x18800] =	vst v63  }
0x50: {  	s22 =	simm.s32 $0x6000  }
0x51: {  	[tilespmem:s22], [sflag:$0x1] =	stream.indirect_vreg.gather [hbm4b:s2+s3], $0x80, v3, vm0, $0xb8;
	[tilespmem:$0x18800] =	vst v63  }
0x52: {  	v3 =	vld [tilespmem:$0x60];
	_ =	sdelay $0x4  }
0x53: {  	v54 =	vshll.u32 v3, $0x1  }
0x54: {  	v3 =	vand.u32 $0x7, v3;
	v4 =	vand.u32 $0xFFFFFFF0, v54  }
0x55: {  	v3 =	vor.u32 v3, v4  }
0x56: {  	v4 =	vperm.xlane v3, v0;
	_ =	sdelay $0x1  }
0x57: {  	v3 =	vperm.xlane v3, v2;
	v4 =	vadd.s32 v1, v4;
	_ =	sdelay $0x1  }
0x58: {  	v3 =	vadd.s32 v1, v3;
	_ =	sdelay $0x1  }
0x59: {  	s23 =	simm.s32 $0x6800  }
0x5a: {  	[tilespmem:s23], [sflag:$0x1] =	stream.indirect_vreg.gather [hbm4b:s2+s3], $0x80, v4, vm0, $0xb8;
	[tilespmem:$0x18800] =	vst v63  }
0x5b: {  	s24 =	simm.s32 $0x7000  }
0x5c: {  	[tilespmem:s24], [sflag:$0x1] =	stream.indirect_vreg.gather [hbm4b:s2+s3], $0x80, v3, vm0, $0xb8;
	[tilespmem:$0x18800] =	vst v63  }
0x5d: {  	v3 =	vld [tilespmem:$0x70];
	_ =	sdelay $0x4  }
0x5e: {  	v55 =	vshll.u32 v3, $0x1  }
0x5f: {  	v3 =	vand.u32 $0x7, v3;
	v4 =	vand.u32 $0xFFFFFFF0, v55  }
0x60: {  	v3 =	vor.u32 v3, v4  }
0x61: {  	v4 =	vperm.xlane v3, v0;
	_ =	sdelay $0x1  }
0x62: {  	v3 =	vperm.xlane v3, v2;
	v4 =	vadd.s32 v1, v4;
	_ =	sdelay $0x1  }
0x63: {  	v3 =	vadd.s32 v1, v3;
	_ =	sdelay $0x1  }
0x64: {  	s25 =	simm.s32 $0x7800  }
0x65: {  	[tilespmem:s25], [sflag:$0x1] =	stream.indirect_vreg.gather [hbm4b:s2+s3], $0x80, v4, vm0, $0xb8;
	[tilespmem:$0x18800] =	vst v63  }
0x66: {  	s28 =	simm.s32 $0x8000  }
0x67: {  	[tilespmem:s28], [sflag:$0x1] =	stream.indirect_vreg.gather [hbm4b:s2+s3], $0x80, v3, vm0, $0xb8;
	[tilespmem:$0x18800] =	vst v63  }
0x68: {  	v3 =	vld [tilespmem:$0x80];
	_ =	sdelay $0x4  }
0x69: {  	v56 =	vshll.u32 v3, $0x1  }
0x6a: {  	v3 =	vand.u32 $0x7, v3;
	v4 =	vand.u32 $0xFFFFFFF0, v56  }
0x6b: {  	v3 =	vor.u32 v3, v4  }
0x6c: {  	v4 =	vperm.xlane v3, v0;
	_ =	sdelay $0x1  }
0x6d: {  	v3 =	vperm.xlane v3, v2;
	v4 =	vadd.s32 v1, v4;
	_ =	sdelay $0x1  }
0x6e: {  	v3 =	vadd.s32 v1, v3;
	_ =	sdelay $0x1  }
0x6f: {  	s0 =	simm.s32 $0x8800  }
0x70: {  	[tilespmem:s0], [sflag:$0x2] =	stream.indirect_vreg.gather [hbm4b:s2+s3], $0x80, v4, vm0, $0xb8;
	[tilespmem:$0x18800] =	vst v63  }
0x71: {  	s29 =	simm.s32 $0x9000  }
0x72: {  	[tilespmem:s29], [sflag:$0x2] =	stream.indirect_vreg.gather [hbm4b:s2+s3], $0x80, v3, vm0, $0xb8;
	[tilespmem:$0x18800] =	vst v63  }
0x73: {  	v3 =	vld [tilespmem:$0x90];
	_ =	sdelay $0x4  }
0x74: {  	v57 =	vshll.u32 v3, $0x1  }
0x75: {  	v3 =	vand.u32 $0x7, v3;
	v4 =	vand.u32 $0xFFFFFFF0, v57  }
0x76: {  	v3 =	vor.u32 v3, v4  }
0x77: {  	v4 =	vperm.xlane v3, v0;
	_ =	sdelay $0x1  }
0x78: {  	v3 =	vperm.xlane v3, v2;
	v4 =	vadd.s32 v1, v4;
	_ =	sdelay $0x1  }
0x79: {  	v3 =	vadd.s32 v1, v3;
	_ =	sdelay $0x1  }
0x7a: {  	s30 =	simm.s32 $0x9800  }
0x7b: {  	[tilespmem:s30], [sflag:$0x2] =	stream.indirect_vreg.gather [hbm4b:s2+s3], $0x80, v4, vm0, $0xb8;
	[tilespmem:$0x18800] =	vst v63  }
0x7c: {  	s31 =	simm.s32 $0xA000  }
0x7d: {  	[tilespmem:s31], [sflag:$0x2] =	stream.indirect_vreg.gather [hbm4b:s2+s3], $0x80, v3, vm0, $0xb8;
	[tilespmem:$0x18800] =	vst v63  }
0x7e: {  	v3 =	vld [tilespmem:$0xA0];
	_ =	sdelay $0x4  }
0x7f: {  	v58 =	vshll.u32 v3, $0x1  }
0x80: {  	v3 =	vand.u32 $0x7, v3;
	v4 =	vand.u32 $0xFFFFFFF0, v58  }
0x81: {  	v3 =	vor.u32 v3, v4  }
0x82: {  	v4 =	vperm.xlane v3, v0;
	_ =	sdelay $0x1  }
0x83: {  	v3 =	vperm.xlane v3, v2;
	v4 =	vadd.s32 v1, v4;
	_ =	sdelay $0x1  }
0x84: {  	v3 =	vadd.s32 v1, v3;
	_ =	sdelay $0x1  }
0x85: {  	s0 =	simm.s32 $0xA800  }
0x86: {  	[tilespmem:s0], [sflag:$0x2] =	stream.indirect_vreg.gather [hbm4b:s2+s3], $0x80, v4, vm0, $0xb8;
	[tilespmem:$0x18800] =	vst v63  }
0x87: {  	s1 =	simm.s32 $0xB000  }
0x88: {  	[tilespmem:s1], [sflag:$0x2] =	stream.indirect_vreg.gather [hbm4b:s2+s3], $0x80, v3, vm0, $0xb8;
	[tilespmem:$0x18800] =	vst v63  }
0x89: {  	v3 =	vld [tilespmem:$0xB0];
	_ =	sdelay $0x4  }
0x8a: {  	v59 =	vshll.u32 v3, $0x1  }
0x8b: {  	v3 =	vand.u32 $0x7, v3;
	v4 =	vand.u32 $0xFFFFFFF0, v59  }
0x8c: {  	v3 =	vor.u32 v3, v4  }
0x8d: {  	v4 =	vperm.xlane v3, v0;
	_ =	sdelay $0x1  }
0x8e: {  	v3 =	vperm.xlane v3, v2;
	v4 =	vadd.s32 v1, v4;
	_ =	sdelay $0x1  }
0x8f: {  	v3 =	vadd.s32 v1, v3;
	_ =	sdelay $0x1  }
0x90: {  	s5 =	simm.s32 $0xB800  }
0x91: {  	[tilespmem:s5], [sflag:$0x2] =	stream.indirect_vreg.gather [hbm4b:s2+s3], $0x80, v4, vm0, $0xb8;
	[tilespmem:$0x18800] =	vst v63  }
0x92: {  	s8 =	simm.s32 $0xC000  }
0x93: {  	[tilespmem:s8], [sflag:$0x2] =	stream.indirect_vreg.gather [hbm4b:s2+s3], $0x80, v3, vm0, $0xb8;
	[tilespmem:$0x18800] =	vst v63  }
0x94: {  	v3 =	vld [tilespmem:$0xC0];
	_ =	sdelay $0x4  }
0x95: {  	v60 =	vshll.u32 v3, $0x1  }
0x96: {  	v3 =	vand.u32 $0x7, v3;
	v4 =	vand.u32 $0xFFFFFFF0, v60  }
0x97: {  	v3 =	vor.u32 v3, v4  }
0x98: {  	v4 =	vperm.xlane v3, v0;
	_ =	sdelay $0x1  }
0x99: {  	v3 =	vperm.xlane v3, v2;
	v4 =	vadd.s32 v1, v4;
	_ =	sdelay $0x1  }
0x9a: {  	v3 =	vadd.s32 v1, v3;
	_ =	sdelay $0x1  }
0x9b: {  	s9 =	simm.s32 $0xC800  }
0x9c: {  	[tilespmem:s9], [sflag:$0x2] =	stream.indirect_vreg.gather [hbm4b:s2+s3], $0x80, v4, vm0, $0xb8;
	[tilespmem:$0x18800] =	vst v63  }
0x9d: {  	s10 =	simm.s32 $0xD000  }
0x9e: {  	[tilespmem:s10], [sflag:$0x2] =	stream.indirect_vreg.gather [hbm4b:s2+s3], $0x80, v3, vm0, $0xb8;
	[tilespmem:$0x18800] =	vst v63  }
0x9f: {  	v3 =	vld [tilespmem:$0xD0];
	_ =	sdelay $0x4  }
0xa0: {  	v61 =	vshll.u32 v3, $0x1  }
0xa1: {  	v3 =	vand.u32 $0x7, v3;
	v4 =	vand.u32 $0xFFFFFFF0, v61  }
0xa2: {  	v3 =	vor.u32 v3, v4  }
0xa3: {  	v4 =	vperm.xlane v3, v0;
	_ =	sdelay $0x1  }
0xa4: {  	v3 =	vperm.xlane v3, v2;
	v4 =	vadd.s32 v1, v4;
	_ =	sdelay $0x1  }
0xa5: {  	v3 =	vadd.s32 v1, v3;
	_ =	sdelay $0x1  }
0xa6: {  	s11 =	simm.s32 $0xD800  }
0xa7: {  	[tilespmem:s11], [sflag:$0x2] =	stream.indirect_vreg.gather [hbm4b:s2+s3], $0x80, v4, vm0, $0xb8;
	[tilespmem:$0x18800] =	vst v63  }
0xa8: {  	s12 =	simm.s32 $0xE000  }
0xa9: {  	[tilespmem:s12], [sflag:$0x2] =	stream.indirect_vreg.gather [hbm4b:s2+s3], $0x80, v3, vm0, $0xb8;
	[tilespmem:$0x18800] =	vst v63  }
0xaa: {  	v3 =	vld [tilespmem:$0xE0];
	_ =	sdelay $0x4  }
0xab: {  	v62 =	vshll.u32 v3, $0x1  }
0xac: {  	v3 =	vand.u32 $0x7, v3;
	v4 =	vand.u32 $0xFFFFFFF0, v62  }
0xad: {  	v3 =	vor.u32 v3, v4  }
0xae: {  	v4 =	vperm.xlane v3, v0;
	_ =	sdelay $0x1  }
0xaf: {  	v3 =	vperm.xlane v3, v2;
	v4 =	vadd.s32 v1, v4;
	_ =	sdelay $0x1  }
0xb0: {  	v3 =	vadd.s32 v1, v3;
	_ =	sdelay $0x1  }
0xb1: {  	s13 =	simm.s32 $0xE800  }
0xb2: {  	[tilespmem:s13], [sflag:$0x2] =	stream.indirect_vreg.gather [hbm4b:s2+s3], $0x80, v4, vm0, $0xb8;
	[tilespmem:$0x18800] =	vst v63  }
0xb3: {  	s14 =	simm.s32 $0xF000  }
0xb4: {  	[tilespmem:s14], [sflag:$0x2] =	stream.indirect_vreg.gather [hbm4b:s2+s3], $0x80, v3, vm0, $0xb8;
	[tilespmem:$0x18800] =	vst v63  }
0xb5: {  	v3 =	vld [tilespmem:$0xF0];
	_ =	sdelay $0x4  }
0xb6: {  	v63 =	vshll.u32 v3, $0x1  }
0xb7: {  	v3 =	vand.u32 $0x7, v3;
	v4 =	vand.u32 $0xFFFFFFF0, v63  }
0xb8: {  	v3 =	vor.u32 v3, v4  }
0xb9: {  	v4 =	vperm.xlane v3, v0;
	_ =	sdelay $0x1  }
0xba: {  	v3 =	vperm.xlane v3, v2;
	v4 =	vadd.s32 v1, v4;
	_ =	sdelay $0x1  }
0xbb: {  	v3 =	vadd.s32 v1, v3;
	_ =	sdelay $0x1  }
0xbc: {  	s15 =	simm.s32 $0xF800  }
0xbd: {  	[tilespmem:s15], [sflag:$0x2] =	stream.indirect_vreg.gather [hbm4b:s2+s3], $0x80, v4, vm0, $0xb8;
	[tilespmem:$0x18800] =	vst v63  }
0xbe: {  	s16 =	simm.s32 $0x10000  }
0xbf: {  	[tilespmem:s16], [sflag:$0x2] =	stream.indirect_vreg.gather [hbm4b:s2+s3], $0x80, v3, vm0, $0xb8;
	[tilespmem:$0x18800] =	vst v63  }
0xc0: {  	_ =	swait.ge [sflag:s26], $0x8000  }
0xc1: {  	[sflag:s26] =	ssyncset.done $0x0  }
0xc2: {  	[sflag:s26] =	ssyncadd.s32 $0xFFFF8000  }
0xc3: {  	v3 =	vld [tilespmem:$0x100];
	_ =	sdelay $0x4  }
0xc4: {  	v8 =	vshll.u32 v3, $0x1  }
0xc5: {  	v3 =	vand.u32 $0x7, v3;
	v4 =	vand.u32 $0xFFFFFFF0, v8  }
0xc6: {  	v3 =	vor.u32 v3, v4  }
0xc7: {  	v4 =	vperm.xlane v3, v0;
	_ =	sdelay $0x1  }
0xc8: {  	v3 =	vperm.xlane v3, v2;
	v4 =	vadd.s32 v1, v4;
	_ =	sdelay $0x1  }
0xc9: {  	v3 =	vadd.s32 v1, v3;
	_ =	sdelay $0x1  }
0xca: {  	s17 =	simm.s32 $0x10800  }
0xcb: {  	[tilespmem:s17], [sflag:$0x3] =	stream.indirect_vreg.gather [hbm4b:s2+s3], $0x80, v4, vm0, $0xb8;
	[tilespmem:$0x18800] =	vst v63  }
0xcc: {  	s18 =	simm.s32 $0x11000  }
0xcd: {  	[tilespmem:s18], [sflag:$0x3] =	stream.indirect_vreg.gather [hbm4b:s2+s3], $0x80, v3, vm0, $0xb8;
	[tilespmem:$0x18800] =	vst v63  }
0xce: {  	v3 =	vld [tilespmem:$0x110];
	_ =	sdelay $0x4  }
0xcf: {  	v9 =	vshll.u32 v3, $0x1  }
0xd0: {  	v3 =	vand.u32 $0x7, v3;
	v4 =	vand.u32 $0xFFFFFFF0, v9  }
0xd1: {  	v3 =	vor.u32 v3, v4  }
0xd2: {  	v4 =	vperm.xlane v3, v0;
	_ =	sdelay $0x1  }
0xd3: {  	v3 =	vperm.xlane v3, v2;
	v4 =	vadd.s32 v1, v4;
	_ =	sdelay $0x1  }
0xd4: {  	v3 =	vadd.s32 v1, v3;
	_ =	sdelay $0x1  }
0xd5: {  	s19 =	simm.s32 $0x11800  }
0xd6: {  	[tilespmem:s19], [sflag:$0x3] =	stream.indirect_vreg.gather [hbm4b:s2+s3], $0x80, v4, vm0, $0xb8;
	[tilespmem:$0x18800] =	vst v63  }
0xd7: {  	s31 =	simm.s32 $0x12000  }
0xd8: {  	[tilespmem:s31], [sflag:$0x3] =	stream.indirect_vreg.gather [hbm4b:s2+s3], $0x80, v3, vm0, $0xb8;
	[tilespmem:$0x18800] =	vst v63  }
0xd9: {  	v3 =	vld [tilespmem:$0x120];
	_ =	sdelay $0x4  }
0xda: {  	v10 =	vshll.u32 v3, $0x1  }
0xdb: {  	v3 =	vand.u32 $0x7, v3;
	v4 =	vand.u32 $0xFFFFFFF0, v10  }
0xdc: {  	v3 =	vor.u32 v3, v4  }
0xdd: {  	v4 =	vperm.xlane v3, v0;
	_ =	sdelay $0x1  }
0xde: {  	v3 =	vperm.xlane v3, v2;
	v4 =	vadd.s32 v1, v4;
	_ =	sdelay $0x1  }
0xdf: {  	v3 =	vadd.s32 v1, v3;
	_ =	sdelay $0x1  }
0xe0: {  	s0 =	simm.s32 $0x12800  }
0xe1: {  	[tilespmem:s0], [sflag:$0x3] =	stream.indirect_vreg.gather [hbm4b:s2+s3], $0x80, v4, vm0, $0xb8;
	[tilespmem:$0x18800] =	vst v63  }
0xe2: {  	s1 =	simm.s32 $0x13000  }
0xe3: {  	[tilespmem:s1], [sflag:$0x3] =	stream.indirect_vreg.gather [hbm4b:s2+s3], $0x80, v3, vm0, $0xb8;
	[tilespmem:$0x18800] =	vst v63  }
0xe4: {  	v3 =	vld [tilespmem:$0x130];
	_ =	sdelay $0x4  }
0xe5: {  	v11 =	vshll.u32 v3, $0x1  }
0xe6: {  	v3 =	vand.u32 $0x7, v3;
	v4 =	vand.u32 $0xFFFFFFF0, v11  }
0xe7: {  	v3 =	vor.u32 v3, v4  }
0xe8: {  	v4 =	vperm.xlane v3, v0;
	_ =	sdelay $0x1  }
0xe9: {  	v3 =	vperm.xlane v3, v2;
	v4 =	vadd.s32 v1, v4;
	_ =	sdelay $0x1  }
0xea: {  	v3 =	vadd.s32 v1, v3;
	_ =	sdelay $0x1  }
0xeb: {  	s5 =	simm.s32 $0x13800  }
0xec: {  	[tilespmem:s5], [sflag:$0x3] =	stream.indirect_vreg.gather [hbm4b:s2+s3], $0x80, v4, vm0, $0xb8;
	[tilespmem:$0x18800] =	vst v63  }
0xed: {  	s8 =	simm.s32 $0x14000  }
0xee: {  	[tilespmem:s8], [sflag:$0x3] =	stream.indirect_vreg.gather [hbm4b:s2+s3], $0x80, v3, vm0, $0xb8;
	[tilespmem:$0x18800] =	vst v63  }
0xef: {  	v3 =	vld [tilespmem:$0x140];
	_ =	sdelay $0x4  }
0xf0: {  	v12 =	vshll.u32 v3, $0x1  }
0xf1: {  	v3 =	vand.u32 $0x7, v3;
	v4 =	vand.u32 $0xFFFFFFF0, v12  }
0xf2: {  	v3 =	vor.u32 v3, v4  }
0xf3: {  	v4 =	vperm.xlane v3, v0;
	_ =	sdelay $0x1  }
0xf4: {  	v3 =	vperm.xlane v3, v2;
	v4 =	vadd.s32 v1, v4;
	_ =	sdelay $0x1  }
0xf5: {  	v3 =	vadd.s32 v1, v3;
	_ =	sdelay $0x1  }
0xf6: {  	s9 =	simm.s32 $0x14800  }
0xf7: {  	[tilespmem:s9], [sflag:$0x3] =	stream.indirect_vreg.gather [hbm4b:s2+s3], $0x80, v4, vm0, $0xb8;
	[tilespmem:$0x18800] =	vst v63  }
0xf8: {  	s10 =	simm.s32 $0x15000  }
0xf9: {  	[tilespmem:s10], [sflag:$0x3] =	stream.indirect_vreg.gather [hbm4b:s2+s3], $0x80, v3, vm0, $0xb8;
	[tilespmem:$0x18800] =	vst v63  }
0xfa: {  	v3 =	vld [tilespmem:$0x150];
	_ =	sdelay $0x4  }
0xfb: {  	v13 =	vshll.u32 v3, $0x1  }
0xfc: {  	v3 =	vand.u32 $0x7, v3;
	v4 =	vand.u32 $0xFFFFFFF0, v13  }
0xfd: {  	v3 =	vor.u32 v3, v4  }
0xfe: {  	v4 =	vperm.xlane v3, v0;
	_ =	sdelay $0x1  }
0xff: {  	v3 =	vperm.xlane v3, v2;
	v4 =	vadd.s32 v1, v4;
	_ =	sdelay $0x1  }
0x100: {  	v3 =	vadd.s32 v1, v3;
	_ =	sdelay $0x1  }
0x101: {  	s11 =	simm.s32 $0x15800  }
0x102: {  	[tilespmem:s11], [sflag:$0x3] =	stream.indirect_vreg.gather [hbm4b:s2+s3], $0x80, v4, vm0, $0xb8;
	[tilespmem:$0x18800] =	vst v63  }
0x103: {  	s12 =	simm.s32 $0x16000  }
0x104: {  	[tilespmem:s12], [sflag:$0x3] =	stream.indirect_vreg.gather [hbm4b:s2+s3], $0x80, v3, vm0, $0xb8;
	[tilespmem:$0x18800] =	vst v63  }
0x105: {  	v3 =	vld [tilespmem:$0x160];
	_ =	sdelay $0x4  }
0x106: {  	v14 =	vshll.u32 v3, $0x1  }
0x107: {  	v3 =	vand.u32 $0x7, v3;
	v4 =	vand.u32 $0xFFFFFFF0, v14  }
0x108: {  	v3 =	vor.u32 v3, v4  }
0x109: {  	v4 =	vperm.xlane v3, v0;
	_ =	sdelay $0x1  }
0x10a: {  	v3 =	vperm.xlane v3, v2;
	v4 =	vadd.s32 v1, v4;
	_ =	sdelay $0x1  }
0x10b: {  	v3 =	vadd.s32 v1, v3;
	_ =	sdelay $0x1  }
0x10c: {  	s13 =	simm.s32 $0x16800  }
0x10d: {  	[tilespmem:s13], [sflag:$0x3] =	stream.indirect_vreg.gather [hbm4b:s2+s3], $0x80, v4, vm0, $0xb8;
	[tilespmem:$0x18800] =	vst v63  }
0x10e: {  	s14 =	simm.s32 $0x17000  }
0x10f: {  	[tilespmem:s14], [sflag:$0x3] =	stream.indirect_vreg.gather [hbm4b:s2+s3], $0x80, v3, vm0, $0xb8;
	[tilespmem:$0x18800] =	vst v63  }
0x110: {  	v3 =	vld [tilespmem:$0x170];
	_ =	sdelay $0x4  }
0x111: {  	v15 =	vshll.u32 v3, $0x1  }
0x112: {  	v3 =	vand.u32 $0x7, v3;
	v4 =	vand.u32 $0xFFFFFFF0, v15  }
0x113: {  	v3 =	vor.u32 v3, v4  }
0x114: {  	v4 =	vperm.xlane v3, v0;
	_ =	sdelay $0x1  }
0x115: {  	v3 =	vperm.xlane v3, v2;
	v4 =	vadd.s32 v1, v4;
	_ =	sdelay $0x1  }
0x116: {  	v3 =	vadd.s32 v1, v3;
	_ =	sdelay $0x1  }
0x117: {  	s15 =	simm.s32 $0x17800  }
0x118: {  	[tilespmem:s15], [sflag:$0x3] =	stream.indirect_vreg.gather [hbm4b:s2+s3], $0x80, v4, vm0, $0xb8;
	[tilespmem:$0x18800] =	vst v63  }
0x119: {  	s16 =	simm.s32 $0x18000;
	s5 =	simm.s32 $0x2  }
0x11a: {  	[tilespmem:s16], [sflag:$0x3] =	stream.indirect_vreg.gather [hbm4b:s2+s3], $0x80, v3, vm0, $0xb8;
	[tilespmem:$0x18800] =	vst v63  }
0x11b: {  	_ =	swait.ge [sflag:s5], $0x8000  }
0x11c: {  	[sflag:s5] =	ssyncset.done $0x0  }
0x11d: {  	[sflag:s5] =	ssyncadd.s32 $0xFFFF8000  }
0x11e: {  	v3 =	vld [tilespmem:$0x180];
	_ =	sdelay $0x4  }
0x11f: {  	v16 =	vshll.u32 v3, $0x1  }
0x120: {  	v3 =	vand.u32 $0x7, v3;
	v4 =	vand.u32 $0xFFFFFFF0, v16  }
0x121: {  	v3 =	vor.u32 v3, v4  }
0x122: {  	v4 =	vperm.xlane v3, v0;
	_ =	sdelay $0x1  }
0x123: {  	v3 =	vperm.xlane v3, v2;
	v4 =	vadd.s32 v1, v4;
	_ =	sdelay $0x1  }
0x124: {  	v3 =	vadd.s32 v1, v3;
	_ =	sdelay $0x1  }
0x125: {  	s17 =	simm.s32 $0x800  }
0x126: {  	[tilespmem:s17], [sflag:$0x1] =	stream.indirect_vreg.gather [hbm4b:s2+s3], $0x80, v4, vm0, $0xb8;
	[tilespmem:$0x18800] =	vst v63  }
0x127: {  	s13 =	simm.s32 $0x1000  }
0x128: {  	[tilespmem:s13], [sflag:$0x1] =	stream.indirect_vreg.gather [hbm4b:s2+s3], $0x80, v3, vm0, $0xb8;
	[tilespmem:$0x18800] =	vst v63  }
0x129: {  	v3 =	vld [tilespmem:$0x190];
	_ =	sdelay $0x4  }
0x12a: {  	v17 =	vshll.u32 v3, $0x1  }
0x12b: {  	v3 =	vand.u32 $0x7, v3;
	v4 =	vand.u32 $0xFFFFFFF0, v17  }
0x12c: {  	v3 =	vor.u32 v3, v4  }
0x12d: {  	v4 =	vperm.xlane v3, v0;
	_ =	sdelay $0x1  }
0x12e: {  	v3 =	vperm.xlane v3, v2;
	v4 =	vadd.s32 v1, v4;
	_ =	sdelay $0x1  }
0x12f: {  	v3 =	vadd.s32 v1, v3;
	_ =	sdelay $0x1  }
0x130: {  	s18 =	simm.s32 $0x1800  }
0x131: {  	[tilespmem:s18], [sflag:$0x1] =	stream.indirect_vreg.gather [hbm4b:s2+s3], $0x80, v4, vm0, $0xb8;
	[tilespmem:$0x18800] =	vst v63  }
0x132: {  	s14 =	simm.s32 $0x2000  }
0x133: {  	[tilespmem:s14], [sflag:$0x1] =	stream.indirect_vreg.gather [hbm4b:s2+s3], $0x80, v3, vm0, $0xb8;
	[tilespmem:$0x18800] =	vst v63  }
0x134: {  	v3 =	vld [tilespmem:$0x1A0];
	_ =	sdelay $0x4  }
0x135: {  	v18 =	vshll.u32 v3, $0x1  }
0x136: {  	v3 =	vand.u32 $0x7, v3;
	v4 =	vand.u32 $0xFFFFFFF0, v18  }
0x137: {  	v3 =	vor.u32 v3, v4  }
0x138: {  	v4 =	vperm.xlane v3, v0;
	_ =	sdelay $0x1  }
0x139: {  	v3 =	vperm.xlane v3, v2;
	v4 =	vadd.s32 v1, v4;
	_ =	sdelay $0x1  }
0x13a: {  	v3 =	vadd.s32 v1, v3;
	_ =	sdelay $0x1  }
0x13b: {  	s19 =	simm.s32 $0x2800  }
0x13c: {  	[tilespmem:s19], [sflag:$0x1] =	stream.indirect_vreg.gather [hbm4b:s2+s3], $0x80, v4, vm0, $0xb8;
	[tilespmem:$0x18800] =	vst v63  }
0x13d: {  	s15 =	simm.s32 $0x3000  }
0x13e: {  	[tilespmem:s15], [sflag:$0x1] =	stream.indirect_vreg.gather [hbm4b:s2+s3], $0x80, v3, vm0, $0xb8;
	[tilespmem:$0x18800] =	vst v63  }
0x13f: {  	v3 =	vld [tilespmem:$0x1B0];
	_ =	sdelay $0x4  }
0x140: {  	v19 =	vshll.u32 v3, $0x1  }
0x141: {  	v3 =	vand.u32 $0x7, v3;
	v4 =	vand.u32 $0xFFFFFFF0, v19  }
0x142: {  	v3 =	vor.u32 v3, v4  }
0x143: {  	v4 =	vperm.xlane v3, v0;
	_ =	sdelay $0x1  }
0x144: {  	v3 =	vperm.xlane v3, v2;
	v4 =	vadd.s32 v1, v4;
	_ =	sdelay $0x1  }
0x145: {  	v3 =	vadd.s32 v1, v3;
	_ =	sdelay $0x1  }
0x146: {  	s8 =	simm.s32 $0x3800  }
0x147: {  	[tilespmem:s8], [sflag:$0x1] =	stream.indirect_vreg.gather [hbm4b:s2+s3], $0x80, v4, vm0, $0xb8;
	[tilespmem:$0x18800] =	vst v63  }
0x148: {  	s16 =	simm.s32 $0x4000  }
0x149: {  	[tilespmem:s16], [sflag:$0x1] =	stream.indirect_vreg.gather [hbm4b:s2+s3], $0x80, v3, vm0, $0xb8;
	[tilespmem:$0x18800] =	vst v63  }
0x14a: {  	v3 =	vld [tilespmem:$0x1C0];
	_ =	sdelay $0x4  }
0x14b: {  	v20 =	vshll.u32 v3, $0x1  }
0x14c: {  	v3 =	vand.u32 $0x7, v3;
	v4 =	vand.u32 $0xFFFFFFF0, v20  }
0x14d: {  	v3 =	vor.u32 v3, v4  }
0x14e: {  	v4 =	vperm.xlane v3, v0;
	_ =	sdelay $0x1  }
0x14f: {  	v3 =	vperm.xlane v3, v2;
	v4 =	vadd.s32 v1, v4;
	_ =	sdelay $0x1  }
0x150: {  	v3 =	vadd.s32 v1, v3;
	_ =	sdelay $0x1  }
0x151: {  	s9 =	simm.s32 $0x4800  }
0x152: {  	[tilespmem:s9], [sflag:$0x1] =	stream.indirect_vreg.gather [hbm4b:s2+s3], $0x80, v4, vm0, $0xb8;
	[tilespmem:$0x18800] =	vst v63  }
0x153: {  	s17 =	simm.s32 $0x5000  }
0x154: {  	[tilespmem:s17], [sflag:$0x1] =	stream.indirect_vreg.gather [hbm4b:s2+s3], $0x80, v3, vm0, $0xb8;
	[tilespmem:$0x18800] =	vst v63  }
0x155: {  	v3 =	vld [tilespmem:$0x1D0];
	_ =	sdelay $0x4  }
0x156: {  	v21 =	vshll.u32 v3, $0x1  }
0x157: {  	v3 =	vand.u32 $0x7, v3;
	v4 =	vand.u32 $0xFFFFFFF0, v21  }
0x158: {  	v3 =	vor.u32 v3, v4  }
0x159: {  	v4 =	vperm.xlane v3, v0;
	_ =	sdelay $0x1  }
0x15a: {  	v3 =	vperm.xlane v3, v2;
	v4 =	vadd.s32 v1, v4;
	_ =	sdelay $0x1  }
0x15b: {  	v3 =	vadd.s32 v1, v3;
	_ =	sdelay $0x1  }
0x15c: {  	s10 =	simm.s32 $0x5800  }
0x15d: {  	[tilespmem:s10], [sflag:$0x1] =	stream.indirect_vreg.gather [hbm4b:s2+s3], $0x80, v4, vm0, $0xb8;
	[tilespmem:$0x18800] =	vst v63  }
0x15e: {  	s18 =	simm.s32 $0x6000  }
0x15f: {  	[tilespmem:s18], [sflag:$0x1] =	stream.indirect_vreg.gather [hbm4b:s2+s3], $0x80, v3, vm0, $0xb8;
	[tilespmem:$0x18800] =	vst v63  }
0x160: {  	v3 =	vld [tilespmem:$0x1E0];
	_ =	sdelay $0x4  }
0x161: {  	v22 =	vshll.u32 v3, $0x1  }
0x162: {  	v3 =	vand.u32 $0x7, v3;
	v4 =	vand.u32 $0xFFFFFFF0, v22  }
0x163: {  	v3 =	vor.u32 v3, v4  }
0x164: {  	v4 =	vperm.xlane v3, v0;
	_ =	sdelay $0x1  }
0x165: {  	v3 =	vperm.xlane v3, v2;
	v4 =	vadd.s32 v1, v4;
	_ =	sdelay $0x1  }
0x166: {  	v3 =	vadd.s32 v1, v3;
	_ =	sdelay $0x1  }
0x167: {  	s11 =	simm.s32 $0x6800  }
0x168: {  	[tilespmem:s11], [sflag:$0x1] =	stream.indirect_vreg.gather [hbm4b:s2+s3], $0x80, v4, vm0, $0xb8;
	[tilespmem:$0x18800] =	vst v63  }
0x169: {  	s19 =	simm.s32 $0x7000  }
0x16a: {  	[tilespmem:s19], [sflag:$0x1] =	stream.indirect_vreg.gather [hbm4b:s2+s3], $0x80, v3, vm0, $0xb8;
	[tilespmem:$0x18800] =	vst v63  }
0x16b: {  	v3 =	vld [tilespmem:$0x1F0];
	_ =	sdelay $0x4  }
0x16c: {  	v23 =	vshll.u32 v3, $0x1  }
0x16d: {  	v3 =	vand.u32 $0x7, v3;
	v4 =	vand.u32 $0xFFFFFFF0, v23  }
0x16e: {  	v3 =	vor.u32 v3, v4  }
0x16f: {  	v4 =	vperm.xlane v3, v0;
	_ =	sdelay $0x1  }
0x170: {  	v3 =	vperm.xlane v3, v2;
	v4 =	vadd.s32 v1, v4;
	_ =	sdelay $0x1  }
0x171: {  	v3 =	vadd.s32 v1, v3;
	_ =	sdelay $0x1  }
0x172: {  	s12 =	simm.s32 $0x7800  }
0x173: {  	[tilespmem:s12], [sflag:$0x1] =	stream.indirect_vreg.gather [hbm4b:s2+s3], $0x80, v4, vm0, $0xb8;
	[tilespmem:$0x18800] =	vst v63  }
0x174: {  	s20 =	simm.s32 $0x8000;
	s0 =	simm.s32 $0x3  }
0x175: {  	[tilespmem:s20], [sflag:$0x1] =	stream.indirect_vreg.gather [hbm4b:s2+s3], $0x80, v3, vm0, $0xb8;
	[tilespmem:$0x18800] =	vst v63  }
0x176: {  	_ =	swait.ge [sflag:s0], $0x8000  }
0x177: {  	[sflag:s0] =	ssyncset.done $0x0  }
0x178: {  	[sflag:s0] =	ssyncadd.s32 $0xFFFF8000  }
0x179: {  	v3 =	vld [tilespmem:$0x200];
	_ =	sdelay $0x4  }
0x17a: {  	v24 =	vshll.u32 v3, $0x1  }
0x17b: {  	v3 =	vand.u32 $0x7, v3;
	v4 =	vand.u32 $0xFFFFFFF0, v24  }
0x17c: {  	v3 =	vor.u32 v3, v4  }
0x17d: {  	v4 =	vperm.xlane v3, v0;
	_ =	sdelay $0x1  }
0x17e: {  	v3 =	vperm.xlane v3, v2;
	v4 =	vadd.s32 v1, v4;
	_ =	sdelay $0x1  }
0x17f: {  	v3 =	vadd.s32 v1, v3;
	_ =	sdelay $0x1  }
0x180: {  	s6 =	simm.s32 $0x8800  }
0x181: {  	[tilespmem:s6], [sflag:$0x2] =	stream.indirect_vreg.gather [hbm4b:s2+s3], $0x80, v4, vm0, $0xb8;
	[tilespmem:$0x18800] =	vst v63  }
0x182: {  	s20 =	simm.s32 $0x9000  }
0x183: {  	[tilespmem:s20], [sflag:$0x2] =	stream.indirect_vreg.gather [hbm4b:s2+s3], $0x80, v3, vm0, $0xb8;
	[tilespmem:$0x18800] =	vst v63  }
0x184: {  	v3 =	vld [tilespmem:$0x210];
	_ =	sdelay $0x4  }
0x185: {  	v25 =	vshll.u32 v3, $0x1  }
0x186: {  	v3 =	vand.u32 $0x7, v3;
	v4 =	vand.u32 $0xFFFFFFF0, v25  }
0x187: {  	v3 =	vor.u32 v3, v4  }
0x188: {  	v4 =	vperm.xlane v3, v0;
	_ =	sdelay $0x1  }
0x189: {  	v3 =	vperm.xlane v3, v2;
	v4 =	vadd.s32 v1, v4;
	_ =	sdelay $0x1  }
0x18a: {  	v3 =	vadd.s32 v1, v3;
	_ =	sdelay $0x1  }
0x18b: {  	s7 =	simm.s32 $0x9800  }
0x18c: {  	[tilespmem:s7], [sflag:$0x2] =	stream.indirect_vreg.gather [hbm4b:s2+s3], $0x80, v4, vm0, $0xb8;
	[tilespmem:$0x18800] =	vst v63  }
0x18d: {  	s4 =	simm.s32 $0xA000  }
0x18e: {  	[tilespmem:s4], [sflag:$0x2] =	stream.indirect_vreg.gather [hbm4b:s2+s3], $0x80, v3, vm0, $0xb8;
	[tilespmem:$0x18800] =	vst v63  }
0x18f: {  	v3 =	vld [tilespmem:$0x220];
	_ =	sdelay $0x4  }
0x190: {  	v26 =	vshll.u32 v3, $0x1  }
0x191: {  	v3 =	vand.u32 $0x7, v3;
	v4 =	vand.u32 $0xFFFFFFF0, v26  }
0x192: {  	v3 =	vor.u32 v3, v4  }
0x193: {  	v4 =	vperm.xlane v3, v0;
	_ =	sdelay $0x1  }
0x194: {  	v3 =	vperm.xlane v3, v2;
	v4 =	vadd.s32 v1, v4;
	_ =	sdelay $0x1  }
0x195: {  	v3 =	vadd.s32 v1, v3;
	_ =	sdelay $0x1  }
0x196: {  	s21 =	simm.s32 $0xA800  }
0x197: {  	[tilespmem:s21], [sflag:$0x2] =	stream.indirect_vreg.gather [hbm4b:s2+s3], $0x80, v4, vm0, $0xb8;
	[tilespmem:$0x18800] =	vst v63  }
0x198: {  	s6 =	simm.s32 $0xB000  }
0x199: {  	[tilespmem:s6], [sflag:$0x2] =	stream.indirect_vreg.gather [hbm4b:s2+s3], $0x80, v3, vm0, $0xb8;
	[tilespmem:$0x18800] =	vst v63  }
0x19a: {  	v3 =	vld [tilespmem:$0x230];
	_ =	sdelay $0x4  }
0x19b: {  	v27 =	vshll.u32 v3, $0x1  }
0x19c: {  	v3 =	vand.u32 $0x7, v3;
	v4 =	vand.u32 $0xFFFFFFF0, v27  }
0x19d: {  	v3 =	vor.u32 v3, v4  }
0x19e: {  	v4 =	vperm.xlane v3, v0;
	_ =	sdelay $0x1  }
0x19f: {  	v3 =	vperm.xlane v3, v2;
	v4 =	vadd.s32 v1, v4;
	_ =	sdelay $0x1  }
0x1a0: {  	v3 =	vadd.s32 v1, v3;
	_ =	sdelay $0x1  }
0x1a1: {  	s22 =	simm.s32 $0xB800  }
0x1a2: {  	[tilespmem:s22], [sflag:$0x2] =	stream.indirect_vreg.gather [hbm4b:s2+s3], $0x80, v4, vm0, $0xb8;
	[tilespmem:$0x18800] =	vst v63  }
0x1a3: {  	s7 =	simm.s32 $0xC000  }
0x1a4: {  	[tilespmem:s7], [sflag:$0x2] =	stream.indirect_vreg.gather [hbm4b:s2+s3], $0x80, v3, vm0, $0xb8;
	[tilespmem:$0x18800] =	vst v63  }
0x1a5: {  	v3 =	vld [tilespmem:$0x240];
	_ =	sdelay $0x4  }
0x1a6: {  	v28 =	vshll.u32 v3, $0x1  }
0x1a7: {  	v3 =	vand.u32 $0x7, v3;
	v4 =	vand.u32 $0xFFFFFFF0, v28  }
0x1a8: {  	v3 =	vor.u32 v3, v4  }
0x1a9: {  	v4 =	vperm.xlane v3, v0;
	_ =	sdelay $0x1  }
0x1aa: {  	v3 =	vperm.xlane v3, v2;
	v4 =	vadd.s32 v1, v4;
	_ =	sdelay $0x1  }
0x1ab: {  	v3 =	vadd.s32 v1, v3;
	_ =	sdelay $0x1  }
0x1ac: {  	s23 =	simm.s32 $0xC800  }
0x1ad: {  	[tilespmem:s23], [sflag:$0x2] =	stream.indirect_vreg.gather [hbm4b:s2+s3], $0x80, v4, vm0, $0xb8;
	[tilespmem:$0x18800] =	vst v63  }
0x1ae: {  	s24 =	simm.s32 $0xD000  }
0x1af: {  	[tilespmem:s24], [sflag:$0x2] =	stream.indirect_vreg.gather [hbm4b:s2+s3], $0x80, v3, vm0, $0xb8;
	[tilespmem:$0x18800] =	vst v63  }
0x1b0: {  	v3 =	vld [tilespmem:$0x250];
	_ =	sdelay $0x4  }
0x1b1: {  	v29 =	vshll.u32 v3, $0x1  }
0x1b2: {  	v3 =	vand.u32 $0x7, v3;
	v4 =	vand.u32 $0xFFFFFFF0, v29  }
0x1b3: {  	v3 =	vor.u32 v3, v4  }
0x1b4: {  	v4 =	vperm.xlane v3, v0;
	_ =	sdelay $0x1  }
0x1b5: {  	v3 =	vperm.xlane v3, v2;
	v4 =	vadd.s32 v1, v4;
	_ =	sdelay $0x1  }
0x1b6: {  	v3 =	vadd.s32 v1, v3;
	_ =	sdelay $0x1  }
0x1b7: {  	s24 =	simm.s32 $0xD800  }
0x1b8: {  	[tilespmem:s24], [sflag:$0x2] =	stream.indirect_vreg.gather [hbm4b:s2+s3], $0x80, v4, vm0, $0xb8;
	[tilespmem:$0x18800] =	vst v63  }
0x1b9: {  	s25 =	simm.s32 $0xE000  }
0x1ba: {  	[tilespmem:s25], [sflag:$0x2] =	stream.indirect_vreg.gather [hbm4b:s2+s3], $0x80, v3, vm0, $0xb8;
	[tilespmem:$0x18800] =	vst v63  }
0x1bb: {  	v3 =	vld [tilespmem:$0x260];
	_ =	sdelay $0x4  }
0x1bc: {  	v30 =	vshll.u32 v3, $0x1  }
0x1bd: {  	v3 =	vand.u32 $0x7, v3;
	v4 =	vand.u32 $0xFFFFFFF0, v30  }
0x1be: {  	v3 =	vor.u32 v3, v4  }
0x1bf: {  	v4 =	vperm.xlane v3, v0;
	_ =	sdelay $0x1  }
0x1c0: {  	v3 =	vperm.xlane v3, v2;
	v4 =	vadd.s32 v1, v4;
	_ =	sdelay $0x1  }
0x1c1: {  	v3 =	vadd.s32 v1, v3;
	_ =	sdelay $0x1  }
0x1c2: {  	s20 =	simm.s32 $0xE800  }
0x1c3: {  	[tilespmem:s20], [sflag:$0x2] =	stream.indirect_vreg.gather [hbm4b:s2+s3], $0x80, v4, vm0, $0xb8;
	[tilespmem:$0x18800] =	vst v63  }
0x1c4: {  	s28 =	simm.s32 $0xF000  }
0x1c5: {  	[tilespmem:s28], [sflag:$0x2] =	stream.indirect_vreg.gather [hbm4b:s2+s3], $0x80, v3, vm0, $0xb8;
	[tilespmem:$0x18800] =	vst v63  }
0x1c6: {  	v3 =	vld [tilespmem:$0x270];
	_ =	sdelay $0x4  }
0x1c7: {  	v31 =	vshll.u32 v3, $0x1  }
0x1c8: {  	v3 =	vand.u32 $0x7, v3;
	v4 =	vand.u32 $0xFFFFFFF0, v31  }
0x1c9: {  	v3 =	vor.u32 v3, v4  }
0x1ca: {  	v4 =	vperm.xlane v3, v0;
	_ =	sdelay $0x1  }
0x1cb: {  	v3 =	vperm.xlane v3, v2;
	v4 =	vadd.s32 v1, v4;
	_ =	sdelay $0x1  }
0x1cc: {  	v3 =	vadd.s32 v1, v3;
	_ =	sdelay $0x1  }
0x1cd: {  	s23 =	simm.s32 $0xF800  }
0x1ce: {  	[tilespmem:s23], [sflag:$0x2] =	stream.indirect_vreg.gather [hbm4b:s2+s3], $0x80, v4, vm0, $0xb8;
	[tilespmem:$0x18800] =	vst v63  }
0x1cf: {  	s29 =	simm.s32 $0x10000  }
0x1d0: {  	[tilespmem:s29], [sflag:$0x2] =	stream.indirect_vreg.gather [hbm4b:s2+s3], $0x80, v3, vm0, $0xb8;
	[tilespmem:$0x18800] =	vst v63  }
0x1d1: {  	_ =	swait.ge [sflag:s26], $0x8000  }
0x1d2: {  	[sflag:s26] =	ssyncset.done $0x0  }
0x1d3: {  	[sflag:s26] =	ssyncadd.s32 $0xFFFF8000  }
0x1d4: {  	v3 =	vld [tilespmem:$0x280];
	_ =	sdelay $0x4  }
0x1d5: {  	v32 =	vshll.u32 v3, $0x1  }
0x1d6: {  	v3 =	vand.u32 $0x7, v3;
	v4 =	vand.u32 $0xFFFFFFF0, v32  }
0x1d7: {  	v3 =	vor.u32 v3, v4  }
0x1d8: {  	v4 =	vperm.xlane v3, v0;
	_ =	sdelay $0x1  }
0x1d9: {  	v3 =	vperm.xlane v3, v2;
	v4 =	vadd.s32 v1, v4;
	_ =	sdelay $0x1  }
0x1da: {  	v3 =	vadd.s32 v1, v3;
	_ =	sdelay $0x1  }
0x1db: {  	s24 =	simm.s32 $0x10800  }
0x1dc: {  	[tilespmem:s24], [sflag:$0x3] =	stream.indirect_vreg.gather [hbm4b:s2+s3], $0x80, v4, vm0, $0xb8;
	[tilespmem:$0x18800] =	vst v63  }
0x1dd: {  	s30 =	simm.s32 $0x11000  }
0x1de: {  	[tilespmem:s30], [sflag:$0x3] =	stream.indirect_vreg.gather [hbm4b:s2+s3], $0x80, v3, vm0, $0xb8;
	[tilespmem:$0x18800] =	vst v63  }
0x1df: {  	v3 =	vld [tilespmem:$0x290];
	_ =	sdelay $0x4  }
0x1e0: {  	v33 =	vshll.u32 v3, $0x1  }
0x1e1: {  	v3 =	vand.u32 $0x7, v3;
	v4 =	vand.u32 $0xFFFFFFF0, v33  }
0x1e2: {  	v3 =	vor.u32 v3, v4  }
0x1e3: {  	v4 =	vperm.xlane v3, v0;
	_ =	sdelay $0x1  }
0x1e4: {  	v3 =	vperm.xlane v3, v2;
	v4 =	vadd.s32 v1, v4;
	_ =	sdelay $0x1  }
0x1e5: {  	v3 =	vadd.s32 v1, v3;
	_ =	sdelay $0x1  }
0x1e6: {  	s25 =	simm.s32 $0x11800  }
0x1e7: {  	[tilespmem:s25], [sflag:$0x3] =	stream.indirect_vreg.gather [hbm4b:s2+s3], $0x80, v4, vm0, $0xb8;
	[tilespmem:$0x18800] =	vst v63  }
0x1e8: {  	s31 =	simm.s32 $0x12000  }
0x1e9: {  	[tilespmem:s31], [sflag:$0x3] =	stream.indirect_vreg.gather [hbm4b:s2+s3], $0x80, v3, vm0, $0xb8;
	[tilespmem:$0x18800] =	vst v63  }
0x1ea: {  	v3 =	vld [tilespmem:$0x2A0];
	_ =	sdelay $0x4  }
0x1eb: {  	v34 =	vshll.u32 v3, $0x1  }
0x1ec: {  	v3 =	vand.u32 $0x7, v3;
	v4 =	vand.u32 $0xFFFFFFF0, v34  }
0x1ed: {  	v3 =	vor.u32 v3, v4  }
0x1ee: {  	v4 =	vperm.xlane v3, v0;
	_ =	sdelay $0x1  }
0x1ef: {  	v3 =	vperm.xlane v3, v2;
	v4 =	vadd.s32 v1, v4;
	_ =	sdelay $0x1  }
0x1f0: {  	v3 =	vadd.s32 v1, v3;
	_ =	sdelay $0x1  }
0x1f1: {  	s28 =	simm.s32 $0x12800  }
0x1f2: {  	[tilespmem:s28], [sflag:$0x3] =	stream.indirect_vreg.gather [hbm4b:s2+s3], $0x80, v4, vm0, $0xb8;
	[tilespmem:$0x18800] =	vst v63  }
0x1f3: {  	s29 =	simm.s32 $0x13000  }
0x1f4: {  	[tilespmem:s29], [sflag:$0x3] =	stream.indirect_vreg.gather [hbm4b:s2+s3], $0x80, v3, vm0, $0xb8;
	[tilespmem:$0x18800] =	vst v63  }
0x1f5: {  	v3 =	vld [tilespmem:$0x2B0];
	_ =	sdelay $0x4  }
0x1f6: {  	v35 =	vshll.u32 v3, $0x1  }
0x1f7: {  	v3 =	vand.u32 $0x7, v3;
	v4 =	vand.u32 $0xFFFFFFF0, v35  }
0x1f8: {  	v3 =	vor.u32 v3, v4  }
0x1f9: {  	v4 =	vperm.xlane v3, v0;
	_ =	sdelay $0x1  }
0x1fa: {  	v3 =	vperm.xlane v3, v2;
	v4 =	vadd.s32 v1, v4;
	_ =	sdelay $0x1  }
0x1fb: {  	v3 =	vadd.s32 v1, v3;
	_ =	sdelay $0x1  }
0x1fc: {  	s29 =	simm.s32 $0x13800  }
0x1fd: {  	[tilespmem:s29], [sflag:$0x3] =	stream.indirect_vreg.gather [hbm4b:s2+s3], $0x80, v4, vm0, $0xb8;
	[tilespmem:$0x18800] =	vst v63  }
0x1fe: {  	s30 =	simm.s32 $0x14000  }
0x1ff: {  	[tilespmem:s30], [sflag:$0x3] =	stream.indirect_vreg.gather [hbm4b:s2+s3], $0x80, v3, vm0, $0xb8;
	[tilespmem:$0x18800] =	vst v63  }
0x200: {  	v3 =	vld [tilespmem:$0x2C0];
	_ =	sdelay $0x4  }
0x201: {  	v36 =	vshll.u32 v3, $0x1  }
0x202: {  	v3 =	vand.u32 $0x7, v3;
	v4 =	vand.u32 $0xFFFFFFF0, v36  }
0x203: {  	v3 =	vor.u32 v3, v4  }
0x204: {  	v4 =	vperm.xlane v3, v0;
	_ =	sdelay $0x1  }
0x205: {  	v3 =	vperm.xlane v3, v2;
	v4 =	vadd.s32 v1, v4;
	_ =	sdelay $0x1  }
0x206: {  	v3 =	vadd.s32 v1, v3;
	_ =	sdelay $0x1  }
0x207: {  	s30 =	simm.s32 $0x14800  }
0x208: {  	[tilespmem:s30], [sflag:$0x3] =	stream.indirect_vreg.gather [hbm4b:s2+s3], $0x80, v4, vm0, $0xb8;
	[tilespmem:$0x18800] =	vst v63  }
0x209: {  	s31 =	simm.s32 $0x15000  }
0x20a: {  	[tilespmem:s31], [sflag:$0x3] =	stream.indirect_vreg.gather [hbm4b:s2+s3], $0x80, v3, vm0, $0xb8;
	[tilespmem:$0x18800] =	vst v63  }
0x20b: {  	v3 =	vld [tilespmem:$0x2D0];
	_ =	sdelay $0x4  }
0x20c: {  	v37 =	vshll.u32 v3, $0x1  }
0x20d: {  	v3 =	vand.u32 $0x7, v3;
	v4 =	vand.u32 $0xFFFFFFF0, v37  }
0x20e: {  	v3 =	vor.u32 v3, v4  }
0x20f: {  	v4 =	vperm.xlane v3, v0;
	_ =	sdelay $0x1  }
0x210: {  	v3 =	vperm.xlane v3, v2;
	v4 =	vadd.s32 v1, v4;
	_ =	sdelay $0x1  }
0x211: {  	v3 =	vadd.s32 v1, v3;
	_ =	sdelay $0x1  }
0x212: {  	s31 =	simm.s32 $0x15800  }
0x213: {  	[tilespmem:s31], [sflag:$0x3] =	stream.indirect_vreg.gather [hbm4b:s2+s3], $0x80, v4, vm0, $0xb8;
	[tilespmem:$0x18800] =	vst v63  }
0x214: {  	s22 =	simm.s32 $0x16000  }
0x215: {  	[tilespmem:s22], [sflag:$0x3] =	stream.indirect_vreg.gather [hbm4b:s2+s3], $0x80, v3, vm0, $0xb8;
	[tilespmem:$0x18800] =	vst v63  }
0x216: {  	v3 =	vld [tilespmem:$0x2E0];
	_ =	sdelay $0x4  }
0x217: {  	v38 =	vshll.u32 v3, $0x1  }
0x218: {  	v3 =	vand.u32 $0x7, v3;
	v4 =	vand.u32 $0xFFFFFFF0, v38  }
0x219: {  	v3 =	vor.u32 v3, v4  }
0x21a: {  	v4 =	vperm.xlane v3, v0;
	_ =	sdelay $0x1  }
0x21b: {  	v3 =	vperm.xlane v3, v2;
	v4 =	vadd.s32 v1, v4;
	_ =	sdelay $0x1  }
0x21c: {  	v3 =	vadd.s32 v1, v3;
	_ =	sdelay $0x1  }
0x21d: {  	s21 =	simm.s32 $0x16800  }
0x21e: {  	[tilespmem:s21], [sflag:$0x3] =	stream.indirect_vreg.gather [hbm4b:s2+s3], $0x80, v4, vm0, $0xb8;
	[tilespmem:$0x18800] =	vst v63  }
0x21f: {  	s22 =	simm.s32 $0x17000  }
0x220: {  	[tilespmem:s22], [sflag:$0x3] =	stream.indirect_vreg.gather [hbm4b:s2+s3], $0x80, v3, vm0, $0xb8;
	[tilespmem:$0x18800] =	vst v63  }
0x221: {  	v3 =	vld [tilespmem:$0x2F0];
	_ =	sdelay $0x4  }
0x222: {  	v39 =	vshll.u32 v3, $0x1  }
0x223: {  	v3 =	vand.u32 $0x7, v3;
	v4 =	vand.u32 $0xFFFFFFF0, v39  }
0x224: {  	v3 =	vor.u32 v3, v4  }
0x225: {  	v4 =	vperm.xlane v3, v0;
	_ =	sdelay $0x1  }
0x226: {  	v3 =	vperm.xlane v3, v2;
	v4 =	vadd.s32 v1, v4;
	_ =	sdelay $0x1  }
0x227: {  	v3 =	vadd.s32 v1, v3;
	_ =	sdelay $0x1  }
0x228: {  	s22 =	simm.s32 $0x17800  }
0x229: {  	[tilespmem:s22], [sflag:$0x3] =	stream.indirect_vreg.gather [hbm4b:s2+s3], $0x80, v4, vm0, $0xb8;
	[tilespmem:$0x18800] =	vst v63  }
0x22a: {  	s1 =	simm.s32 $0x18000  }
0x22b: {  	[tilespmem:s1], [sflag:$0x3] =	stream.indirect_vreg.gather [hbm4b:s2+s3], $0x80, v3, vm0, $0xb8;
	[tilespmem:$0x18800] =	vst v63  }
0x22c: {  	_ =	swait.ge [sflag:s5], $0x8000  }
0x22d: {  	[sflag:s5] =	ssyncset.done $0x0  }
0x22e: {  	[sflag:s5] =	ssyncadd.s32 $0xFFFF8000  }
0x22f: {  	v3 =	vld [tilespmem:$0x300];
	_ =	sdelay $0x4  }
0x230: {  	v40 =	vshll.u32 v3, $0x1  }
0x231: {  	v3 =	vand.u32 $0x7, v3;
	v4 =	vand.u32 $0xFFFFFFF0, v40  }
0x232: {  	v3 =	vor.u32 v3, v4  }
0x233: {  	v4 =	vperm.xlane v3, v0;
	_ =	sdelay $0x1  }
0x234: {  	v3 =	vperm.xlane v3, v2;
	v4 =	vadd.s32 v1, v4;
	_ =	sdelay $0x1  }
0x235: {  	v3 =	vadd.s32 v1, v3;
	_ =	sdelay $0x1  }
0x236: {  	s1 =	simm.s32 $0x800  }
0x237: {  	[tilespmem:s1], [sflag:$0x1] =	stream.indirect_vreg.gather [hbm4b:s2+s3], $0x80, v4, vm0, $0xb8;
	[tilespmem:$0x18800] =	vst v63  }
0x238: {  	_ = 	snop  }
0x239: {  	[tilespmem:s13], [sflag:$0x1] =	stream.indirect_vreg.gather [hbm4b:s2+s3], $0x80, v3, vm0, $0xb8;
	[tilespmem:$0x18800] =	vst v63  }
0x23a: {  	v3 =	vld [tilespmem:$0x310];
	_ =	sdelay $0x4  }
0x23b: {  	v41 =	vshll.u32 v3, $0x1  }
0x23c: {  	v3 =	vand.u32 $0x7, v3;
	v4 =	vand.u32 $0xFFFFFFF0, v41  }
0x23d: {  	v3 =	vor.u32 v3, v4  }
0x23e: {  	v4 =	vperm.xlane v3, v0;
	_ =	sdelay $0x1  }
0x23f: {  	v3 =	vperm.xlane v3, v2;
	v4 =	vadd.s32 v1, v4;
	_ =	sdelay $0x1  }
0x240: {  	v3 =	vadd.s32 v1, v3;
	_ =	sdelay $0x1  }
0x241: {  	s13 =	simm.s32 $0x1800  }
0x242: {  	[tilespmem:s13], [sflag:$0x1] =	stream.indirect_vreg.gather [hbm4b:s2+s3], $0x80, v4, vm0, $0xb8;
	[tilespmem:$0x18800] =	vst v63  }
0x243: {  	_ = 	snop  }
0x244: {  	[tilespmem:s14], [sflag:$0x1] =	stream.indirect_vreg.gather [hbm4b:s2+s3], $0x80, v3, vm0, $0xb8;
	[tilespmem:$0x18800] =	vst v63  }
0x245: {  	v3 =	vld [tilespmem:$0x320];
	_ =	sdelay $0x4  }
0x246: {  	v42 =	vshll.u32 v3, $0x1  }
0x247: {  	v3 =	vand.u32 $0x7, v3;
	v4 =	vand.u32 $0xFFFFFFF0, v42  }
0x248: {  	v3 =	vor.u32 v3, v4  }
0x249: {  	v4 =	vperm.xlane v3, v0;
	_ =	sdelay $0x1  }
0x24a: {  	v3 =	vperm.xlane v3, v2;
	v4 =	vadd.s32 v1, v4;
	_ =	sdelay $0x1  }
0x24b: {  	v3 =	vadd.s32 v1, v3;
	_ =	sdelay $0x1  }
0x24c: {  	s14 =	simm.s32 $0x2800  }
0x24d: {  	[tilespmem:s14], [sflag:$0x1] =	stream.indirect_vreg.gather [hbm4b:s2+s3], $0x80, v4, vm0, $0xb8;
	[tilespmem:$0x18800] =	vst v63  }
0x24e: {  	_ = 	snop  }
0x24f: {  	[tilespmem:s15], [sflag:$0x1] =	stream.indirect_vreg.gather [hbm4b:s2+s3], $0x80, v3, vm0, $0xb8;
	[tilespmem:$0x18800] =	vst v63  }
0x250: {  	v3 =	vld [tilespmem:$0x330];
	_ =	sdelay $0x4  }
0x251: {  	v43 =	vshll.u32 v3, $0x1  }
0x252: {  	v3 =	vand.u32 $0x7, v3;
	v4 =	vand.u32 $0xFFFFFFF0, v43  }
0x253: {  	v3 =	vor.u32 v3, v4  }
0x254: {  	v4 =	vperm.xlane v3, v0;
	_ =	sdelay $0x1  }
0x255: {  	v3 =	vperm.xlane v3, v2;
	v4 =	vadd.s32 v1, v4;
	_ =	sdelay $0x1  }
0x256: {  	v3 =	vadd.s32 v1, v3;
	_ =	sdelay $0x2  }
0x257: {  	[tilespmem:s8], [sflag:$0x1] =	stream.indirect_vreg.gather [hbm4b:s2+s3], $0x80, v4, vm0, $0xb8;
	[tilespmem:$0x18800] =	vst v63  }
0x258: {  	_ = 	snop  }
0x259: {  	[tilespmem:s16], [sflag:$0x1] =	stream.indirect_vreg.gather [hbm4b:s2+s3], $0x80, v3, vm0, $0xb8;
	[tilespmem:$0x18800] =	vst v63  }
0x25a: {  	v3 =	vld [tilespmem:$0x340];
	_ =	sdelay $0x4  }
0x25b: {  	v44 =	vshll.u32 v3, $0x1  }
0x25c: {  	v3 =	vand.u32 $0x7, v3;
	v4 =	vand.u32 $0xFFFFFFF0, v44  }
0x25d: {  	v3 =	vor.u32 v3, v4  }
0x25e: {  	v4 =	vperm.xlane v3, v0;
	_ =	sdelay $0x1  }
0x25f: {  	v3 =	vperm.xlane v3, v2;
	v4 =	vadd.s32 v1, v4;
	_ =	sdelay $0x1  }
0x260: {  	v3 =	vadd.s32 v1, v3;
	_ =	sdelay $0x2  }
0x261: {  	[tilespmem:s9], [sflag:$0x1] =	stream.indirect_vreg.gather [hbm4b:s2+s3], $0x80, v4, vm0, $0xb8;
	[tilespmem:$0x18800] =	vst v63  }
0x262: {  	_ = 	snop  }
0x263: {  	[tilespmem:s17], [sflag:$0x1] =	stream.indirect_vreg.gather [hbm4b:s2+s3], $0x80, v3, vm0, $0xb8;
	[tilespmem:$0x18800] =	vst v63  }
0x264: {  	v3 =	vld [tilespmem:$0x350];
	_ =	sdelay $0x4  }
0x265: {  	v45 =	vshll.u32 v3, $0x1  }
0x266: {  	v3 =	vand.u32 $0x7, v3;
	v4 =	vand.u32 $0xFFFFFFF0, v45  }
0x267: {  	v3 =	vor.u32 v3, v4  }
0x268: {  	v4 =	vperm.xlane v3, v0;
	_ =	sdelay $0x1  }
0x269: {  	v3 =	vperm.xlane v3, v2;
	v4 =	vadd.s32 v1, v4;
	_ =	sdelay $0x1  }
0x26a: {  	v3 =	vadd.s32 v1, v3;
	_ =	sdelay $0x2  }
0x26b: {  	[tilespmem:s10], [sflag:$0x1] =	stream.indirect_vreg.gather [hbm4b:s2+s3], $0x80, v4, vm0, $0xb8;
	[tilespmem:$0x18800] =	vst v63  }
0x26c: {  	_ = 	snop  }
0x26d: {  	[tilespmem:s18], [sflag:$0x1] =	stream.indirect_vreg.gather [hbm4b:s2+s3], $0x80, v3, vm0, $0xb8;
	[tilespmem:$0x18800] =	vst v63  }
0x26e: {  	v3 =	vld [tilespmem:$0x360];
	_ =	sdelay $0x4  }
0x26f: {  	v46 =	vshll.u32 v3, $0x1  }
0x270: {  	v3 =	vand.u32 $0x7, v3;
	v4 =	vand.u32 $0xFFFFFFF0, v46  }
0x271: {  	v3 =	vor.u32 v3, v4  }
0x272: {  	v4 =	vperm.xlane v3, v0;
	_ =	sdelay $0x1  }
0x273: {  	v3 =	vperm.xlane v3, v2;
	v4 =	vadd.s32 v1, v4;
	_ =	sdelay $0x1  }
0x274: {  	v3 =	vadd.s32 v1, v3;
	_ =	sdelay $0x2  }
0x275: {  	[tilespmem:s11], [sflag:$0x1] =	stream.indirect_vreg.gather [hbm4b:s2+s3], $0x80, v4, vm0, $0xb8;
	[tilespmem:$0x18800] =	vst v63  }
0x276: {  	_ = 	snop  }
0x277: {  	[tilespmem:s19], [sflag:$0x1] =	stream.indirect_vreg.gather [hbm4b:s2+s3], $0x80, v3, vm0, $0xb8;
	[tilespmem:$0x18800] =	vst v63  }
0x278: {  	v3 =	vld [tilespmem:$0x370];
	_ =	sdelay $0x4  }
0x279: {  	v47 =	vshll.u32 v3, $0x1  }
0x27a: {  	v3 =	vand.u32 $0x7, v3;
	v4 =	vand.u32 $0xFFFFFFF0, v47  }
0x27b: {  	v3 =	vor.u32 v3, v4  }
0x27c: {  	v4 =	vperm.xlane v3, v0;
	_ =	sdelay $0x1  }
0x27d: {  	v3 =	vperm.xlane v3, v2;
	v4 =	vadd.s32 v1, v4;
	_ =	sdelay $0x1  }
0x27e: {  	v3 =	vadd.s32 v1, v3;
	_ =	sdelay $0x2  }
0x27f: {  	[tilespmem:s12], [sflag:$0x1] =	stream.indirect_vreg.gather [hbm4b:s2+s3], $0x80, v4, vm0, $0xb8;
	[tilespmem:$0x18800] =	vst v63  }
0x280: {  	s1 =	simm.s32 $0x8000  }
0x281: {  	[tilespmem:s1], [sflag:$0x1] =	stream.indirect_vreg.gather [hbm4b:s2+s3], $0x80, v3, vm0, $0xb8;
	[tilespmem:$0x18800] =	vst v63  }
0x282: {  	_ =	swait.ge [sflag:s0], $0x8000  }
0x283: {  	[sflag:s0] =	ssyncset.done $0x0  }
0x284: {  	[sflag:s0] =	ssyncadd.s32 $0xFFFF8000  }
0x285: {  	v3 =	vld [tilespmem:$0x380];
	_ =	sdelay $0x4  }
0x286: {  	v48 =	vshll.u32 v3, $0x1  }
0x287: {  	v3 =	vand.u32 $0x7, v3;
	v4 =	vand.u32 $0xFFFFFFF0, v48  }
0x288: {  	v3 =	vor.u32 v3, v4  }
0x289: {  	v4 =	vperm.xlane v3, v0;
	_ =	sdelay $0x1  }
0x28a: {  	v3 =	vperm.xlane v3, v2;
	v4 =	vadd.s32 v1, v4;
	_ =	sdelay $0x1  }
0x28b: {  	v3 =	vadd.s32 v1, v3;
	_ =	sdelay $0x1  }
0x28c: {  	s14 =	simm.s32 $0x8800  }
0x28d: {  	[tilespmem:s14], [sflag:$0x2] =	stream.indirect_vreg.gather [hbm4b:s2+s3], $0x80, v4, vm0, $0xb8;
	[tilespmem:$0x18800] =	vst v63  }
0x28e: {  	s9 =	simm.s32 $0x9000  }
0x28f: {  	[tilespmem:s9], [sflag:$0x2] =	stream.indirect_vreg.gather [hbm4b:s2+s3], $0x80, v3, vm0, $0xb8;
	[tilespmem:$0x18800] =	vst v63  }
0x290: {  	v3 =	vld [tilespmem:$0x390];
	_ =	sdelay $0x4  }
0x291: {  	v49 =	vshll.u32 v3, $0x1  }
0x292: {  	v3 =	vand.u32 $0x7, v3;
	v4 =	vand.u32 $0xFFFFFFF0, v49  }
0x293: {  	v3 =	vor.u32 v3, v4  }
0x294: {  	v4 =	vperm.xlane v3, v0;
	_ =	sdelay $0x1  }
0x295: {  	v3 =	vperm.xlane v3, v2;
	v4 =	vadd.s32 v1, v4;
	_ =	sdelay $0x1  }
0x296: {  	v3 =	vadd.s32 v1, v3;
	_ =	sdelay $0x1  }
0x297: {  	s15 =	simm.s32 $0x9800  }
0x298: {  	[tilespmem:s15], [sflag:$0x2] =	stream.indirect_vreg.gather [hbm4b:s2+s3], $0x80, v4, vm0, $0xb8;
	[tilespmem:$0x18800] =	vst v63  }
0x299: {  	_ = 	snop  }
0x29a: {  	[tilespmem:s4], [sflag:$0x2] =	stream.indirect_vreg.gather [hbm4b:s2+s3], $0x80, v3, vm0, $0xb8;
	[tilespmem:$0x18800] =	vst v63  }
0x29b: {  	v3 =	vld [tilespmem:$0x3A0];
	_ =	sdelay $0x4  }
0x29c: {  	v50 =	vshll.u32 v3, $0x1  }
0x29d: {  	v3 =	vand.u32 $0x7, v3;
	v4 =	vand.u32 $0xFFFFFFF0, v50  }
0x29e: {  	v3 =	vor.u32 v3, v4  }
0x29f: {  	v4 =	vperm.xlane v3, v0;
	_ =	sdelay $0x1  }
0x2a0: {  	v3 =	vperm.xlane v3, v2;
	v4 =	vadd.s32 v1, v4;
	_ =	sdelay $0x1  }
0x2a1: {  	v3 =	vadd.s32 v1, v3;
	_ =	sdelay $0x1  }
0x2a2: {  	s16 =	simm.s32 $0xA800  }
0x2a3: {  	[tilespmem:s16], [sflag:$0x2] =	stream.indirect_vreg.gather [hbm4b:s2+s3], $0x80, v4, vm0, $0xb8;
	[tilespmem:$0x18800] =	vst v63  }
0x2a4: {  	_ = 	snop  }
0x2a5: {  	[tilespmem:s6], [sflag:$0x2] =	stream.indirect_vreg.gather [hbm4b:s2+s3], $0x80, v3, vm0, $0xb8;
	[tilespmem:$0x18800] =	vst v63  }
0x2a6: {  	v3 =	vld [tilespmem:$0x3B0];
	_ =	sdelay $0x4  }
0x2a7: {  	v51 =	vshll.u32 v3, $0x1  }
0x2a8: {  	v3 =	vand.u32 $0x7, v3;
	v4 =	vand.u32 $0xFFFFFFF0, v51  }
0x2a9: {  	v3 =	vor.u32 v3, v4  }
0x2aa: {  	v4 =	vperm.xlane v3, v0;
	_ =	sdelay $0x1  }
0x2ab: {  	v3 =	vperm.xlane v3, v2;
	v4 =	vadd.s32 v1, v4;
	_ =	sdelay $0x1  }
0x2ac: {  	v3 =	vadd.s32 v1, v3;
	_ =	sdelay $0x1  }
0x2ad: {  	s12 =	simm.s32 $0xB800  }
0x2ae: {  	[tilespmem:s12], [sflag:$0x2] =	stream.indirect_vreg.gather [hbm4b:s2+s3], $0x80, v4, vm0, $0xb8;
	[tilespmem:$0x18800] =	vst v63  }
0x2af: {  	_ = 	snop  }
0x2b0: {  	[tilespmem:s7], [sflag:$0x2] =	stream.indirect_vreg.gather [hbm4b:s2+s3], $0x80, v3, vm0, $0xb8;
	[tilespmem:$0x18800] =	vst v63  }
0x2b1: {  	v3 =	vld [tilespmem:$0x3C0];
	_ =	sdelay $0x4  }
0x2b2: {  	v52 =	vshll.u32 v3, $0x1  }
0x2b3: {  	v3 =	vand.u32 $0x7, v3;
	v4 =	vand.u32 $0xFFFFFFF0, v52  }
0x2b4: {  	v3 =	vor.u32 v3, v4  }
0x2b5: {  	v4 =	vperm.xlane v3, v0;
	_ =	sdelay $0x1  }
0x2b6: {  	v3 =	vperm.xlane v3, v2;
	v4 =	vadd.s32 v1, v4;
	_ =	sdelay $0x1  }
0x2b7: {  	v3 =	vadd.s32 v1, v3;
	_ =	sdelay $0x1  }
0x2b8: {  	s13 =	simm.s32 $0xC800  }
0x2b9: {  	[tilespmem:s13], [sflag:$0x2] =	stream.indirect_vreg.gather [hbm4b:s2+s3], $0x80, v4, vm0, $0xb8;
	[tilespmem:$0x18800] =	vst v63  }
0x2ba: {  	s11 =	simm.s32 $0xD000  }
0x2bb: {  	[tilespmem:s11], [sflag:$0x2] =	stream.indirect_vreg.gather [hbm4b:s2+s3], $0x80, v3, vm0, $0xb8;
	[tilespmem:$0x18800] =	vst v63  }
0x2bc: {  	v3 =	vld [tilespmem:$0x3D0];
	_ =	sdelay $0x4  }
0x2bd: {  	v53 =	vshll.u32 v3, $0x1  }
0x2be: {  	v3 =	vand.u32 $0x7, v3;
	v4 =	vand.u32 $0xFFFFFFF0, v53  }
0x2bf: {  	v3 =	vor.u32 v3, v4  }
0x2c0: {  	v4 =	vperm.xlane v3, v0;
	_ =	sdelay $0x1  }
0x2c1: {  	v3 =	vperm.xlane v3, v2;
	v4 =	vadd.s32 v1, v4;
	_ =	sdelay $0x1  }
0x2c2: {  	v3 =	vadd.s32 v1, v3;
	_ =	sdelay $0x1  }
0x2c3: {  	s10 =	simm.s32 $0xD800  }
0x2c4: {  	[tilespmem:s10], [sflag:$0x2] =	stream.indirect_vreg.gather [hbm4b:s2+s3], $0x80, v4, vm0, $0xb8;
	[tilespmem:$0x18800] =	vst v63  }
0x2c5: {  	s4 =	simm.s32 $0xE000  }
0x2c6: {  	[tilespmem:s4], [sflag:$0x2] =	stream.indirect_vreg.gather [hbm4b:s2+s3], $0x80, v3, vm0, $0xb8;
	[tilespmem:$0x18800] =	vst v63  }
0x2c7: {  	v3 =	vld [tilespmem:$0x3E0];
	_ =	sdelay $0x4  }
0x2c8: {  	v54 =	vshll.u32 v3, $0x1  }
0x2c9: {  	v3 =	vand.u32 $0x7, v3;
	v4 =	vand.u32 $0xFFFFFFF0, v54  }
0x2ca: {  	v3 =	vor.u32 v3, v4  }
0x2cb: {  	v4 =	vperm.xlane v3, v0;
	_ =	sdelay $0x1  }
0x2cc: {  	v3 =	vperm.xlane v3, v2;
	v4 =	vadd.s32 v1, v4;
	_ =	sdelay $0x1  }
0x2cd: {  	v3 =	vadd.s32 v1, v3;
	_ =	sdelay $0x2  }
0x2ce: {  	[tilespmem:s20], [sflag:$0x2] =	stream.indirect_vreg.gather [hbm4b:s2+s3], $0x80, v4, vm0, $0xb8;
	[tilespmem:$0x18800] =	vst v63  }
0x2cf: {  	s6 =	simm.s32 $0xF000  }
0x2d0: {  	[tilespmem:s6], [sflag:$0x2] =	stream.indirect_vreg.gather [hbm4b:s2+s3], $0x80, v3, vm0, $0xb8;
	[tilespmem:$0x18800] =	vst v63  }
0x2d1: {  	v3 =	vld [tilespmem:$0x3F0];
	_ =	sdelay $0x4  }
0x2d2: {  	v55 =	vshll.u32 v3, $0x1  }
0x2d3: {  	v3 =	vand.u32 $0x7, v3;
	v4 =	vand.u32 $0xFFFFFFF0, v55  }
0x2d4: {  	v3 =	vor.u32 v3, v4  }
0x2d5: {  	v4 =	vperm.xlane v3, v0;
	_ =	sdelay $0x1  }
0x2d6: {  	v3 =	vperm.xlane v3, v2;
	v4 =	vadd.s32 v1, v4;
	_ =	sdelay $0x1  }
0x2d7: {  	v3 =	vadd.s32 v1, v3;
	_ =	sdelay $0x2  }
0x2d8: {  	[tilespmem:s23], [sflag:$0x2] =	stream.indirect_vreg.gather [hbm4b:s2+s3], $0x80, v4, vm0, $0xb8;
	[tilespmem:$0x18800] =	vst v63  }
0x2d9: {  	s7 =	simm.s32 $0x10000  }
0x2da: {  	[tilespmem:s7], [sflag:$0x2] =	stream.indirect_vreg.gather [hbm4b:s2+s3], $0x80, v3, vm0, $0xb8;
	[tilespmem:$0x18800] =	vst v63  }
0x2db: {  	_ =	swait.ge [sflag:s26], $0x8000  }
0x2dc: {  	[sflag:s26] =	ssyncset.done $0x0  }
0x2dd: {  	[sflag:s26] =	ssyncadd.s32 $0xFFFF8000  }
0x2de: {  	v3 =	vld [tilespmem:$0x400];
	_ =	sdelay $0x4  }
0x2df: {  	v56 =	vshll.u32 v3, $0x1  }
0x2e0: {  	v3 =	vand.u32 $0x7, v3;
	v4 =	vand.u32 $0xFFFFFFF0, v56  }
0x2e1: {  	v3 =	vor.u32 v3, v4  }
0x2e2: {  	v4 =	vperm.xlane v3, v0;
	_ =	sdelay $0x1  }
0x2e3: {  	v3 =	vperm.xlane v3, v2;
	v4 =	vadd.s32 v1, v4;
	_ =	sdelay $0x1  }
0x2e4: {  	v3 =	vadd.s32 v1, v3;
	_ =	sdelay $0x2  }
0x2e5: {  	[tilespmem:s24], [sflag:$0x3] =	stream.indirect_vreg.gather [hbm4b:s2+s3], $0x80, v4, vm0, $0xb8;
	[tilespmem:$0x18800] =	vst v63  }
0x2e6: {  	s8 =	simm.s32 $0x11000  }
0x2e7: {  	[tilespmem:s8], [sflag:$0x3] =	stream.indirect_vreg.gather [hbm4b:s2+s3], $0x80, v3, vm0, $0xb8;
	[tilespmem:$0x18800] =	vst v63  }
0x2e8: {  	v3 =	vld [tilespmem:$0x410];
	_ =	sdelay $0x4  }
0x2e9: {  	v57 =	vshll.u32 v3, $0x1  }
0x2ea: {  	v3 =	vand.u32 $0x7, v3;
	v4 =	vand.u32 $0xFFFFFFF0, v57  }
0x2eb: {  	v3 =	vor.u32 v3, v4  }
0x2ec: {  	v4 =	vperm.xlane v3, v0;
	_ =	sdelay $0x1  }
0x2ed: {  	v3 =	vperm.xlane v3, v2;
	v4 =	vadd.s32 v1, v4;
	_ =	sdelay $0x1  }
0x2ee: {  	v3 =	vadd.s32 v1, v3;
	_ =	sdelay $0x2  }
0x2ef: {  	[tilespmem:s25], [sflag:$0x3] =	stream.indirect_vreg.gather [hbm4b:s2+s3], $0x80, v4, vm0, $0xb8;
	[tilespmem:$0x18800] =	vst v63  }
0x2f0: {  	s9 =	simm.s32 $0x12000  }
0x2f1: {  	[tilespmem:s9], [sflag:$0x3] =	stream.indirect_vreg.gather [hbm4b:s2+s3], $0x80, v3, vm0, $0xb8;
	[tilespmem:$0x18800] =	vst v63  }
0x2f2: {  	v3 =	vld [tilespmem:$0x420];
	_ =	sdelay $0x4  }
0x2f3: {  	v58 =	vshll.u32 v3, $0x1  }
0x2f4: {  	v3 =	vand.u32 $0x7, v3;
	v4 =	vand.u32 $0xFFFFFFF0, v58  }
0x2f5: {  	v3 =	vor.u32 v3, v4  }
0x2f6: {  	v4 =	vperm.xlane v3, v0;
	_ =	sdelay $0x1  }
0x2f7: {  	v3 =	vperm.xlane v3, v2;
	v4 =	vadd.s32 v1, v4;
	_ =	sdelay $0x1  }
0x2f8: {  	v3 =	vadd.s32 v1, v3;
	_ =	sdelay $0x2  }
0x2f9: {  	[tilespmem:s28], [sflag:$0x3] =	stream.indirect_vreg.gather [hbm4b:s2+s3], $0x80, v4, vm0, $0xb8;
	[tilespmem:$0x18800] =	vst v63  }
0x2fa: {  	s17 =	simm.s32 $0x13000  }
0x2fb: {  	[tilespmem:s17], [sflag:$0x3] =	stream.indirect_vreg.gather [hbm4b:s2+s3], $0x80, v3, vm0, $0xb8;
	[tilespmem:$0x18800] =	vst v63  }
0x2fc: {  	v3 =	vld [tilespmem:$0x430];
	_ =	sdelay $0x4  }
0x2fd: {  	v59 =	vshll.u32 v3, $0x1  }
0x2fe: {  	v3 =	vand.u32 $0x7, v3;
	v4 =	vand.u32 $0xFFFFFFF0, v59  }
0x2ff: {  	v3 =	vor.u32 v3, v4  }
0x300: {  	v4 =	vperm.xlane v3, v0;
	_ =	sdelay $0x1  }
0x301: {  	v3 =	vperm.xlane v3, v2;
	v4 =	vadd.s32 v1, v4;
	_ =	sdelay $0x1  }
0x302: {  	v3 =	vadd.s32 v1, v3;
	_ =	sdelay $0x2  }
0x303: {  	[tilespmem:s29], [sflag:$0x3] =	stream.indirect_vreg.gather [hbm4b:s2+s3], $0x80, v4, vm0, $0xb8;
	[tilespmem:$0x18800] =	vst v63  }
0x304: {  	s17 =	simm.s32 $0x14000  }
0x305: {  	[tilespmem:s17], [sflag:$0x3] =	stream.indirect_vreg.gather [hbm4b:s2+s3], $0x80, v3, vm0, $0xb8;
	[tilespmem:$0x18800] =	vst v63  }
0x306: {  	v3 =	vld [tilespmem:$0x440];
	_ =	sdelay $0x4  }
0x307: {  	v60 =	vshll.u32 v3, $0x1  }
0x308: {  	v3 =	vand.u32 $0x7, v3;
	v4 =	vand.u32 $0xFFFFFFF0, v60  }
0x309: {  	v3 =	vor.u32 v3, v4  }
0x30a: {  	v4 =	vperm.xlane v3, v0;
	_ =	sdelay $0x1  }
0x30b: {  	v3 =	vperm.xlane v3, v2;
	v4 =	vadd.s32 v1, v4;
	_ =	sdelay $0x1  }
0x30c: {  	v3 =	vadd.s32 v1, v3;
	_ =	sdelay $0x2  }
0x30d: {  	[tilespmem:s30], [sflag:$0x3] =	stream.indirect_vreg.gather [hbm4b:s2+s3], $0x80, v4, vm0, $0xb8;
	[tilespmem:$0x18800] =	vst v63  }
0x30e: {  	s17 =	simm.s32 $0x15000  }
0x30f: {  	[tilespmem:s17], [sflag:$0x3] =	stream.indirect_vreg.gather [hbm4b:s2+s3], $0x80, v3, vm0, $0xb8;
	[tilespmem:$0x18800] =	vst v63  }
0x310: {  	v3 =	vld [tilespmem:$0x450];
	_ =	sdelay $0x4  }
0x311: {  	v61 =	vshll.u32 v3, $0x1  }
0x312: {  	v3 =	vand.u32 $0x7, v3;
	v4 =	vand.u32 $0xFFFFFFF0, v61  }
0x313: {  	v3 =	vor.u32 v3, v4  }
0x314: {  	v4 =	vperm.xlane v3, v0;
	_ =	sdelay $0x1  }
0x315: {  	v3 =	vperm.xlane v3, v2;
	v4 =	vadd.s32 v1, v4;
	_ =	sdelay $0x1  }
0x316: {  	v3 =	vadd.s32 v1, v3;
	_ =	sdelay $0x2  }
0x317: {  	[tilespmem:s31], [sflag:$0x3] =	stream.indirect_vreg.gather [hbm4b:s2+s3], $0x80, v4, vm0, $0xb8;
	[tilespmem:$0x18800] =	vst v63  }
0x318: {  	s17 =	simm.s32 $0x16000  }
0x319: {  	[tilespmem:s17], [sflag:$0x3] =	stream.indirect_vreg.gather [hbm4b:s2+s3], $0x80, v3, vm0, $0xb8;
	[tilespmem:$0x18800] =	vst v63  }
0x31a: {  	v3 =	vld [tilespmem:$0x460];
	_ =	sdelay $0x4  }
0x31b: {  	v62 =	vshll.u32 v3, $0x1  }
0x31c: {  	v3 =	vand.u32 $0x7, v3;
	v4 =	vand.u32 $0xFFFFFFF0, v62  }
0x31d: {  	v3 =	vor.u32 v3, v4  }
0x31e: {  	v4 =	vperm.xlane v3, v0;
	_ =	sdelay $0x1  }
0x31f: {  	v3 =	vperm.xlane v3, v2;
	v4 =	vadd.s32 v1, v4;
	_ =	sdelay $0x1  }
0x320: {  	v3 =	vadd.s32 v1, v3;
	_ =	sdelay $0x2  }
0x321: {  	[tilespmem:s21], [sflag:$0x3] =	stream.indirect_vreg.gather [hbm4b:s2+s3], $0x80, v4, vm0, $0xb8;
	[tilespmem:$0x18800] =	vst v63  }
0x322: {  	s17 =	simm.s32 $0x17000  }
0x323: {  	[tilespmem:s17], [sflag:$0x3] =	stream.indirect_vreg.gather [hbm4b:s2+s3], $0x80, v3, vm0, $0xb8;
	[tilespmem:$0x18800] =	vst v63  }
0x324: {  	v3 =	vld [tilespmem:$0x470];
	_ =	sdelay $0x4  }
0x325: {  	v63 =	vshll.u32 v3, $0x1  }
0x326: {  	v3 =	vand.u32 $0x7, v3;
	v4 =	vand.u32 $0xFFFFFFF0, v63  }
0x327: {  	v3 =	vor.u32 v3, v4  }
0x328: {  	v4 =	vperm.xlane v3, v0;
	_ =	sdelay $0x1  }
0x329: {  	v3 =	vperm.xlane v3, v2;
	v4 =	vadd.s32 v1, v4;
	_ =	sdelay $0x1  }
0x32a: {  	v3 =	vadd.s32 v1, v3;
	_ =	sdelay $0x2  }
0x32b: {  	[tilespmem:s22], [sflag:$0x3] =	stream.indirect_vreg.gather [hbm4b:s2+s3], $0x80, v4, vm0, $0xb8;
	[tilespmem:$0x18800] =	vst v63  }
0x32c: {  	s10 =	simm.s32 $0x18000  }
0x32d: {  	[tilespmem:s10], [sflag:$0x3] =	stream.indirect_vreg.gather [hbm4b:s2+s3], $0x80, v3, vm0, $0xb8;
	[tilespmem:$0x18800] =	vst v63  }
0x32e: {  	_ =	swait.ge [sflag:s5], $0x8000  }
0x32f: {  	[sflag:s5] =	ssyncset.done $0x0  }
0x330: {  	[sflag:s5] =	ssyncadd.s32 $0xFFFF8000  }
0x331: {  	v3 =	vld [tilespmem:$0x480];
	_ =	sdelay $0x4  }
0x332: {  	v8 =	vshll.u32 v3, $0x1  }
0x333: {  	v3 =	vand.u32 $0x7, v3;
	v4 =	vand.u32 $0xFFFFFFF0, v8  }
0x334: {  	v3 =	vor.u32 v3, v4  }
0x335: {  	v4 =	vperm.xlane v3, v0;
	_ =	sdelay $0x1  }
0x336: {  	v3 =	vperm.xlane v3, v2;
	v4 =	vadd.s32 v1, v4;
	_ =	sdelay $0x1  }
0x337: {  	v3 =	vadd.s32 v1, v3;
	_ =	sdelay $0x1  }
0x338: {  	s22 =	simm.s32 $0x800  }
0x339: {  	[tilespmem:s22], [sflag:$0x1] =	stream.indirect_vreg.gather [hbm4b:s2+s3], $0x80, v4, vm0, $0xb8;
	[tilespmem:$0x18800] =	vst v63  }
0x33a: {  	s17 =	simm.s32 $0x1000  }
0x33b: {  	[tilespmem:s17], [sflag:$0x1] =	stream.indirect_vreg.gather [hbm4b:s2+s3], $0x80, v3, vm0, $0xb8;
	[tilespmem:$0x18800] =	vst v63  }
0x33c: {  	v3 =	vld [tilespmem:$0x490];
	_ =	sdelay $0x4  }
0x33d: {  	v9 =	vshll.u32 v3, $0x1  }
0x33e: {  	v3 =	vand.u32 $0x7, v3;
	v4 =	vand.u32 $0xFFFFFFF0, v9  }
0x33f: {  	v3 =	vor.u32 v3, v4  }
0x340: {  	v4 =	vperm.xlane v3, v0;
	_ =	sdelay $0x1  }
0x341: {  	v3 =	vperm.xlane v3, v2;
	v4 =	vadd.s32 v1, v4;
	_ =	sdelay $0x1  }
0x342: {  	v3 =	vadd.s32 v1, v3;
	_ =	sdelay $0x1  }
0x343: {  	s17 =	simm.s32 $0x1800  }
0x344: {  	[tilespmem:s17], [sflag:$0x1] =	stream.indirect_vreg.gather [hbm4b:s2+s3], $0x80, v4, vm0, $0xb8;
	[tilespmem:$0x18800] =	vst v63  }
0x345: {  	s17 =	simm.s32 $0x2000  }
0x346: {  	[tilespmem:s17], [sflag:$0x1] =	stream.indirect_vreg.gather [hbm4b:s2+s3], $0x80, v3, vm0, $0xb8;
	[tilespmem:$0x18800] =	vst v63  }
0x347: {  	v3 =	vld [tilespmem:$0x4A0];
	_ =	sdelay $0x4  }
0x348: {  	v10 =	vshll.u32 v3, $0x1  }
0x349: {  	v3 =	vand.u32 $0x7, v3;
	v4 =	vand.u32 $0xFFFFFFF0, v10  }
0x34a: {  	v3 =	vor.u32 v3, v4  }
0x34b: {  	v4 =	vperm.xlane v3, v0;
	_ =	sdelay $0x1  }
0x34c: {  	v3 =	vperm.xlane v3, v2;
	v4 =	vadd.s32 v1, v4;
	_ =	sdelay $0x1  }
0x34d: {  	v3 =	vadd.s32 v1, v3;
	_ =	sdelay $0x1  }
0x34e: {  	s17 =	simm.s32 $0x2800  }
0x34f: {  	[tilespmem:s17], [sflag:$0x1] =	stream.indirect_vreg.gather [hbm4b:s2+s3], $0x80, v4, vm0, $0xb8;
	[tilespmem:$0x18800] =	vst v63  }
0x350: {  	s17 =	simm.s32 $0x3000  }
0x351: {  	[tilespmem:s17], [sflag:$0x1] =	stream.indirect_vreg.gather [hbm4b:s2+s3], $0x80, v3, vm0, $0xb8;
	[tilespmem:$0x18800] =	vst v63  }
0x352: {  	v3 =	vld [tilespmem:$0x4B0];
	_ =	sdelay $0x4  }
0x353: {  	v11 =	vshll.u32 v3, $0x1  }
0x354: {  	v3 =	vand.u32 $0x7, v3;
	v4 =	vand.u32 $0xFFFFFFF0, v11  }
0x355: {  	v3 =	vor.u32 v3, v4  }
0x356: {  	v4 =	vperm.xlane v3, v0;
	_ =	sdelay $0x1  }
0x357: {  	v3 =	vperm.xlane v3, v2;
	v4 =	vadd.s32 v1, v4;
	_ =	sdelay $0x1  }
0x358: {  	v3 =	vadd.s32 v1, v3;
	_ =	sdelay $0x1  }
0x359: {  	s17 =	simm.s32 $0x3800  }
0x35a: {  	[tilespmem:s17], [sflag:$0x1] =	stream.indirect_vreg.gather [hbm4b:s2+s3], $0x80, v4, vm0, $0xb8;
	[tilespmem:$0x18800] =	vst v63  }
0x35b: {  	s17 =	simm.s32 $0x4000  }
0x35c: {  	[tilespmem:s17], [sflag:$0x1] =	stream.indirect_vreg.gather [hbm4b:s2+s3], $0x80, v3, vm0, $0xb8;
	[tilespmem:$0x18800] =	vst v63  }
0x35d: {  	v3 =	vld [tilespmem:$0x4C0];
	_ =	sdelay $0x4  }
0x35e: {  	v12 =	vshll.u32 v3, $0x1  }
0x35f: {  	v3 =	vand.u32 $0x7, v3;
	v4 =	vand.u32 $0xFFFFFFF0, v12  }
0x360: {  	v3 =	vor.u32 v3, v4  }
0x361: {  	v4 =	vperm.xlane v3, v0;
	_ =	sdelay $0x1  }
0x362: {  	v3 =	vperm.xlane v3, v2;
	v4 =	vadd.s32 v1, v4;
	_ =	sdelay $0x1  }
0x363: {  	v3 =	vadd.s32 v1, v3;
	_ =	sdelay $0x1  }
0x364: {  	s17 =	simm.s32 $0x4800  }
0x365: {  	[tilespmem:s17], [sflag:$0x1] =	stream.indirect_vreg.gather [hbm4b:s2+s3], $0x80, v4, vm0, $0xb8;
	[tilespmem:$0x18800] =	vst v63  }
0x366: {  	s17 =	simm.s32 $0x5000  }
0x367: {  	[tilespmem:s17], [sflag:$0x1] =	stream.indirect_vreg.gather [hbm4b:s2+s3], $0x80, v3, vm0, $0xb8;
	[tilespmem:$0x18800] =	vst v63  }
0x368: {  	v3 =	vld [tilespmem:$0x4D0];
	_ =	sdelay $0x4  }
0x369: {  	v13 =	vshll.u32 v3, $0x1  }
0x36a: {  	v3 =	vand.u32 $0x7, v3;
	v4 =	vand.u32 $0xFFFFFFF0, v13  }
0x36b: {  	v3 =	vor.u32 v3, v4  }
0x36c: {  	v4 =	vperm.xlane v3, v0;
	_ =	sdelay $0x1  }
0x36d: {  	v3 =	vperm.xlane v3, v2;
	v4 =	vadd.s32 v1, v4;
	_ =	sdelay $0x1  }
0x36e: {  	v3 =	vadd.s32 v1, v3;
	_ =	sdelay $0x1  }
0x36f: {  	s17 =	simm.s32 $0x5800  }
0x370: {  	[tilespmem:s17], [sflag:$0x1] =	stream.indirect_vreg.gather [hbm4b:s2+s3], $0x80, v4, vm0, $0xb8;
	[tilespmem:$0x18800] =	vst v63  }
0x371: {  	s18 =	simm.s32 $0x6000  }
0x372: {  	[tilespmem:s18], [sflag:$0x1] =	stream.indirect_vreg.gather [hbm4b:s2+s3], $0x80, v3, vm0, $0xb8;
	[tilespmem:$0x18800] =	vst v63  }
0x373: {  	v3 =	vld [tilespmem:$0x4E0];
	_ =	sdelay $0x4  }
0x374: {  	v14 =	vshll.u32 v3, $0x1  }
0x375: {  	v3 =	vand.u32 $0x7, v3;
	v4 =	vand.u32 $0xFFFFFFF0, v14  }
0x376: {  	v3 =	vor.u32 v3, v4  }
0x377: {  	v4 =	vperm.xlane v3, v0;
	_ =	sdelay $0x1  }
0x378: {  	v3 =	vperm.xlane v3, v2;
	v4 =	vadd.s32 v1, v4;
	_ =	sdelay $0x1  }
0x379: {  	v3 =	vadd.s32 v1, v3;
	_ =	sdelay $0x1  }
0x37a: {  	s18 =	simm.s32 $0x6800  }
0x37b: {  	[tilespmem:s18], [sflag:$0x1] =	stream.indirect_vreg.gather [hbm4b:s2+s3], $0x80, v4, vm0, $0xb8;
	[tilespmem:$0x18800] =	vst v63  }
0x37c: {  	s19 =	simm.s32 $0x7000  }
0x37d: {  	[tilespmem:s19], [sflag:$0x1] =	stream.indirect_vreg.gather [hbm4b:s2+s3], $0x80, v3, vm0, $0xb8;
	[tilespmem:$0x18800] =	vst v63  }
0x37e: {  	v3 =	vld [tilespmem:$0x4F0];
	_ =	sdelay $0x4  }
0x37f: {  	v15 =	vshll.u32 v3, $0x1  }
0x380: {  	v3 =	vand.u32 $0x7, v3;
	v4 =	vand.u32 $0xFFFFFFF0, v15  }
0x381: {  	v3 =	vor.u32 v3, v4  }
0x382: {  	v4 =	vperm.xlane v3, v0;
	_ =	sdelay $0x1  }
0x383: {  	v3 =	vperm.xlane v3, v2;
	v4 =	vadd.s32 v1, v4;
	_ =	sdelay $0x1  }
0x384: {  	v3 =	vadd.s32 v1, v3;
	_ =	sdelay $0x1  }
0x385: {  	s19 =	simm.s32 $0x7800  }
0x386: {  	[tilespmem:s19], [sflag:$0x1] =	stream.indirect_vreg.gather [hbm4b:s2+s3], $0x80, v4, vm0, $0xb8;
	[tilespmem:$0x18800] =	vst v63  }
0x387: {  	_ = 	snop  }
0x388: {  	[tilespmem:s1], [sflag:$0x1] =	stream.indirect_vreg.gather [hbm4b:s2+s3], $0x80, v3, vm0, $0xb8;
	[tilespmem:$0x18800] =	vst v63  }
0x389: {  	_ =	swait.ge [sflag:s0], $0x8000  }
0x38a: {  	[sflag:s0] =	ssyncset.done $0x0  }
0x38b: {  	[sflag:s0] =	ssyncadd.s32 $0xFFFF8000  }
0x38c: {  	v3 =	vld [tilespmem:$0x500];
	_ =	sdelay $0x4  }
0x38d: {  	v16 =	vshll.u32 v3, $0x1  }
0x38e: {  	v3 =	vand.u32 $0x7, v3;
	v4 =	vand.u32 $0xFFFFFFF0, v16  }
0x38f: {  	v3 =	vor.u32 v3, v4  }
0x390: {  	v4 =	vperm.xlane v3, v0;
	_ =	sdelay $0x1  }
0x391: {  	v3 =	vperm.xlane v3, v2;
	v4 =	vadd.s32 v1, v4;
	_ =	sdelay $0x1  }
0x392: {  	v3 =	vadd.s32 v1, v3;
	_ =	sdelay $0x2  }
0x393: {  	[tilespmem:s14], [sflag:$0x2] =	stream.indirect_vreg.gather [hbm4b:s2+s3], $0x80, v4, vm0, $0xb8;
	[tilespmem:$0x18800] =	vst v63  }
0x394: {  	s18 =	simm.s32 $0x9000  }
0x395: {  	[tilespmem:s18], [sflag:$0x2] =	stream.indirect_vreg.gather [hbm4b:s2+s3], $0x80, v3, vm0, $0xb8;
	[tilespmem:$0x18800] =	vst v63  }
0x396: {  	v3 =	vld [tilespmem:$0x510];
	_ =	sdelay $0x4  }
0x397: {  	v17 =	vshll.u32 v3, $0x1  }
0x398: {  	v3 =	vand.u32 $0x7, v3;
	v4 =	vand.u32 $0xFFFFFFF0, v17  }
0x399: {  	v3 =	vor.u32 v3, v4  }
0x39a: {  	v4 =	vperm.xlane v3, v0;
	_ =	sdelay $0x1  }
0x39b: {  	v3 =	vperm.xlane v3, v2;
	v4 =	vadd.s32 v1, v4;
	_ =	sdelay $0x1  }
0x39c: {  	v3 =	vadd.s32 v1, v3;
	_ =	sdelay $0x2  }
0x39d: {  	[tilespmem:s15], [sflag:$0x2] =	stream.indirect_vreg.gather [hbm4b:s2+s3], $0x80, v4, vm0, $0xb8;
	[tilespmem:$0x18800] =	vst v63  }
0x39e: {  	s19 =	simm.s32 $0xA000  }
0x39f: {  	[tilespmem:s19], [sflag:$0x2] =	stream.indirect_vreg.gather [hbm4b:s2+s3], $0x80, v3, vm0, $0xb8;
	[tilespmem:$0x18800] =	vst v63  }
0x3a0: {  	v3 =	vld [tilespmem:$0x520];
	_ =	sdelay $0x4  }
0x3a1: {  	v18 =	vshll.u32 v3, $0x1  }
0x3a2: {  	v3 =	vand.u32 $0x7, v3;
	v4 =	vand.u32 $0xFFFFFFF0, v18  }
0x3a3: {  	v3 =	vor.u32 v3, v4  }
0x3a4: {  	v4 =	vperm.xlane v3, v0;
	_ =	sdelay $0x1  }
0x3a5: {  	v3 =	vperm.xlane v3, v2;
	v4 =	vadd.s32 v1, v4;
	_ =	sdelay $0x1  }
0x3a6: {  	v3 =	vadd.s32 v1, v3;
	_ =	sdelay $0x2  }
0x3a7: {  	[tilespmem:s16], [sflag:$0x2] =	stream.indirect_vreg.gather [hbm4b:s2+s3], $0x80, v4, vm0, $0xb8;
	[tilespmem:$0x18800] =	vst v63  }
0x3a8: {  	s17 =	simm.s32 $0xB000  }
0x3a9: {  	[tilespmem:s17], [sflag:$0x2] =	stream.indirect_vreg.gather [hbm4b:s2+s3], $0x80, v3, vm0, $0xb8;
	[tilespmem:$0x18800] =	vst v63  }
0x3aa: {  	v3 =	vld [tilespmem:$0x530];
	_ =	sdelay $0x4  }
0x3ab: {  	v19 =	vshll.u32 v3, $0x1  }
0x3ac: {  	v3 =	vand.u32 $0x7, v3;
	v4 =	vand.u32 $0xFFFFFFF0, v19  }
0x3ad: {  	v3 =	vor.u32 v3, v4  }
0x3ae: {  	v4 =	vperm.xlane v3, v0;
	_ =	sdelay $0x1  }
0x3af: {  	v3 =	vperm.xlane v3, v2;
	v4 =	vadd.s32 v1, v4;
	_ =	sdelay $0x1  }
0x3b0: {  	v3 =	vadd.s32 v1, v3;
	_ =	sdelay $0x2  }
0x3b1: {  	[tilespmem:s12], [sflag:$0x2] =	stream.indirect_vreg.gather [hbm4b:s2+s3], $0x80, v4, vm0, $0xb8;
	[tilespmem:$0x18800] =	vst v63  }
0x3b2: {  	s18 =	simm.s32 $0xC000  }
0x3b3: {  	[tilespmem:s18], [sflag:$0x2] =	stream.indirect_vreg.gather [hbm4b:s2+s3], $0x80, v3, vm0, $0xb8;
	[tilespmem:$0x18800] =	vst v63  }
0x3b4: {  	v3 =	vld [tilespmem:$0x540];
	_ =	sdelay $0x4  }
0x3b5: {  	v20 =	vshll.u32 v3, $0x1  }
0x3b6: {  	v3 =	vand.u32 $0x7, v3;
	v4 =	vand.u32 $0xFFFFFFF0, v20  }
0x3b7: {  	v3 =	vor.u32 v3, v4  }
0x3b8: {  	v4 =	vperm.xlane v3, v0;
	_ =	sdelay $0x1  }
0x3b9: {  	v3 =	vperm.xlane v3, v2;
	v4 =	vadd.s32 v1, v4;
	_ =	sdelay $0x1  }
0x3ba: {  	v3 =	vadd.s32 v1, v3;
	_ =	sdelay $0x2  }
0x3bb: {  	[tilespmem:s13], [sflag:$0x2] =	stream.indirect_vreg.gather [hbm4b:s2+s3], $0x80, v4, vm0, $0xb8;
	[tilespmem:$0x18800] =	vst v63  }
0x3bc: {  	_ = 	snop  }
0x3bd: {  	[tilespmem:s11], [sflag:$0x2] =	stream.indirect_vreg.gather [hbm4b:s2+s3], $0x80, v3, vm0, $0xb8;
	[tilespmem:$0x18800] =	vst v63  }
0x3be: {  	v3 =	vld [tilespmem:$0x550];
	_ =	sdelay $0x4  }
0x3bf: {  	v21 =	vshll.u32 v3, $0x1  }
0x3c0: {  	v3 =	vand.u32 $0x7, v3;
	v4 =	vand.u32 $0xFFFFFFF0, v21  }
0x3c1: {  	v3 =	vor.u32 v3, v4  }
0x3c2: {  	v4 =	vperm.xlane v3, v0;
	_ =	sdelay $0x1  }
0x3c3: {  	v3 =	vperm.xlane v3, v2;
	v4 =	vadd.s32 v1, v4;
	_ =	sdelay $0x1  }
0x3c4: {  	v3 =	vadd.s32 v1, v3;
	_ =	sdelay $0x1  }
0x3c5: {  	s19 =	simm.s32 $0xD800  }
0x3c6: {  	[tilespmem:s19], [sflag:$0x2] =	stream.indirect_vreg.gather [hbm4b:s2+s3], $0x80, v4, vm0, $0xb8;
	[tilespmem:$0x18800] =	vst v63  }
0x3c7: {  	_ = 	snop  }
0x3c8: {  	[tilespmem:s4], [sflag:$0x2] =	stream.indirect_vreg.gather [hbm4b:s2+s3], $0x80, v3, vm0, $0xb8;
	[tilespmem:$0x18800] =	vst v63  }
0x3c9: {  	v3 =	vld [tilespmem:$0x560];
	_ =	sdelay $0x4  }
0x3ca: {  	v22 =	vshll.u32 v3, $0x1  }
0x3cb: {  	v3 =	vand.u32 $0x7, v3;
	v4 =	vand.u32 $0xFFFFFFF0, v22  }
0x3cc: {  	v3 =	vor.u32 v3, v4  }
0x3cd: {  	v4 =	vperm.xlane v3, v0;
	_ =	sdelay $0x1  }
0x3ce: {  	v3 =	vperm.xlane v3, v2;
	v4 =	vadd.s32 v1, v4;
	_ =	sdelay $0x1  }
0x3cf: {  	v3 =	vadd.s32 v1, v3;
	_ =	sdelay $0x1  }
0x3d0: {  	s20 =	simm.s32 $0xE800  }
0x3d1: {  	[tilespmem:s20], [sflag:$0x2] =	stream.indirect_vreg.gather [hbm4b:s2+s3], $0x80, v4, vm0, $0xb8;
	[tilespmem:$0x18800] =	vst v63  }
0x3d2: {  	_ = 	snop  }
0x3d3: {  	[tilespmem:s6], [sflag:$0x2] =	stream.indirect_vreg.gather [hbm4b:s2+s3], $0x80, v3, vm0, $0xb8;
	[tilespmem:$0x18800] =	vst v63  }
0x3d4: {  	v3 =	vld [tilespmem:$0x570];
	_ =	sdelay $0x4  }
0x3d5: {  	v23 =	vshll.u32 v3, $0x1  }
0x3d6: {  	v3 =	vand.u32 $0x7, v3;
	v4 =	vand.u32 $0xFFFFFFF0, v23  }
0x3d7: {  	v3 =	vor.u32 v3, v4  }
0x3d8: {  	v4 =	vperm.xlane v3, v0;
	_ =	sdelay $0x1  }
0x3d9: {  	v3 =	vperm.xlane v3, v2;
	v4 =	vadd.s32 v1, v4;
	_ =	sdelay $0x1  }
0x3da: {  	v3 =	vadd.s32 v1, v3;
	_ =	sdelay $0x1  }
0x3db: {  	s23 =	simm.s32 $0xF800  }
0x3dc: {  	[tilespmem:s23], [sflag:$0x2] =	stream.indirect_vreg.gather [hbm4b:s2+s3], $0x80, v4, vm0, $0xb8;
	[tilespmem:$0x18800] =	vst v63  }
0x3dd: {  	_ = 	snop  }
0x3de: {  	[tilespmem:s7], [sflag:$0x2] =	stream.indirect_vreg.gather [hbm4b:s2+s3], $0x80, v3, vm0, $0xb8;
	[tilespmem:$0x18800] =	vst v63  }
0x3df: {  	_ =	swait.ge [sflag:s26], $0x8000  }
0x3e0: {  	[sflag:s26] =	ssyncset.done $0x0  }
0x3e1: {  	[sflag:s26] =	ssyncadd.s32 $0xFFFF8000  }
0x3e2: {  	v3 =	vld [tilespmem:$0x580];
	_ =	sdelay $0x4  }
0x3e3: {  	v24 =	vshll.u32 v3, $0x1  }
0x3e4: {  	v3 =	vand.u32 $0x7, v3;
	v4 =	vand.u32 $0xFFFFFFF0, v24  }
0x3e5: {  	v3 =	vor.u32 v3, v4  }
0x3e6: {  	v4 =	vperm.xlane v3, v0;
	_ =	sdelay $0x1  }
0x3e7: {  	v3 =	vperm.xlane v3, v2;
	v4 =	vadd.s32 v1, v4;
	_ =	sdelay $0x1  }
0x3e8: {  	v3 =	vadd.s32 v1, v3;
	_ =	sdelay $0x1  }
0x3e9: {  	s24 =	simm.s32 $0x10800  }
0x3ea: {  	[tilespmem:s24], [sflag:$0x3] =	stream.indirect_vreg.gather [hbm4b:s2+s3], $0x80, v4, vm0, $0xb8;
	[tilespmem:$0x18800] =	vst v63  }
0x3eb: {  	_ = 	snop  }
0x3ec: {  	[tilespmem:s8], [sflag:$0x3] =	stream.indirect_vreg.gather [hbm4b:s2+s3], $0x80, v3, vm0, $0xb8;
	[tilespmem:$0x18800] =	vst v63  }
0x3ed: {  	v3 =	vld [tilespmem:$0x590];
	_ =	sdelay $0x4  }
0x3ee: {  	v25 =	vshll.u32 v3, $0x1  }
0x3ef: {  	v3 =	vand.u32 $0x7, v3;
	v4 =	vand.u32 $0xFFFFFFF0, v25  }
0x3f0: {  	v3 =	vor.u32 v3, v4  }
0x3f1: {  	v4 =	vperm.xlane v3, v0;
	_ =	sdelay $0x1  }
0x3f2: {  	v3 =	vperm.xlane v3, v2;
	v4 =	vadd.s32 v1, v4;
	_ =	sdelay $0x1  }
0x3f3: {  	v3 =	vadd.s32 v1, v3;
	_ =	sdelay $0x1  }
0x3f4: {  	s25 =	simm.s32 $0x11800  }
0x3f5: {  	[tilespmem:s25], [sflag:$0x3] =	stream.indirect_vreg.gather [hbm4b:s2+s3], $0x80, v4, vm0, $0xb8;
	[tilespmem:$0x18800] =	vst v63  }
0x3f6: {  	_ = 	snop  }
0x3f7: {  	[tilespmem:s9], [sflag:$0x3] =	stream.indirect_vreg.gather [hbm4b:s2+s3], $0x80, v3, vm0, $0xb8;
	[tilespmem:$0x18800] =	vst v63  }
0x3f8: {  	v3 =	vld [tilespmem:$0x5A0];
	_ =	sdelay $0x4  }
0x3f9: {  	v26 =	vshll.u32 v3, $0x1  }
0x3fa: {  	v3 =	vand.u32 $0x7, v3;
	v4 =	vand.u32 $0xFFFFFFF0, v26  }
0x3fb: {  	v3 =	vor.u32 v3, v4  }
0x3fc: {  	v4 =	vperm.xlane v3, v0;
	_ =	sdelay $0x1  }
0x3fd: {  	v3 =	vperm.xlane v3, v2;
	v4 =	vadd.s32 v1, v4;
	_ =	sdelay $0x1  }
0x3fe: {  	v3 =	vadd.s32 v1, v3;
	_ =	sdelay $0x1  }
0x3ff: {  	s28 =	simm.s32 $0x12800  }
0x400: {  	[tilespmem:s28], [sflag:$0x3] =	stream.indirect_vreg.gather [hbm4b:s2+s3], $0x80, v4, vm0, $0xb8;
	[tilespmem:$0x18800] =	vst v63  }
0x401: {  	s28 =	simm.s32 $0x13000  }
0x402: {  	[tilespmem:s28], [sflag:$0x3] =	stream.indirect_vreg.gather [hbm4b:s2+s3], $0x80, v3, vm0, $0xb8;
	[tilespmem:$0x18800] =	vst v63  }
0x403: {  	v3 =	vld [tilespmem:$0x5B0];
	_ =	sdelay $0x4  }
0x404: {  	v27 =	vshll.u32 v3, $0x1  }
0x405: {  	v3 =	vand.u32 $0x7, v3;
	v4 =	vand.u32 $0xFFFFFFF0, v27  }
0x406: {  	v3 =	vor.u32 v3, v4  }
0x407: {  	v4 =	vperm.xlane v3, v0;
	_ =	sdelay $0x1  }
0x408: {  	v3 =	vperm.xlane v3, v2;
	v4 =	vadd.s32 v1, v4;
	_ =	sdelay $0x1  }
0x409: {  	v3 =	vadd.s32 v1, v3;
	_ =	sdelay $0x1  }
0x40a: {  	s29 =	simm.s32 $0x13800  }
0x40b: {  	[tilespmem:s29], [sflag:$0x3] =	stream.indirect_vreg.gather [hbm4b:s2+s3], $0x80, v4, vm0, $0xb8;
	[tilespmem:$0x18800] =	vst v63  }
0x40c: {  	s29 =	simm.s32 $0x14000  }
0x40d: {  	[tilespmem:s29], [sflag:$0x3] =	stream.indirect_vreg.gather [hbm4b:s2+s3], $0x80, v3, vm0, $0xb8;
	[tilespmem:$0x18800] =	vst v63  }
0x40e: {  	v3 =	vld [tilespmem:$0x5C0];
	_ =	sdelay $0x4  }
0x40f: {  	v28 =	vshll.u32 v3, $0x1  }
0x410: {  	v3 =	vand.u32 $0x7, v3;
	v4 =	vand.u32 $0xFFFFFFF0, v28  }
0x411: {  	v3 =	vor.u32 v3, v4  }
0x412: {  	v4 =	vperm.xlane v3, v0;
	_ =	sdelay $0x1  }
0x413: {  	v3 =	vperm.xlane v3, v2;
	v4 =	vadd.s32 v1, v4;
	_ =	sdelay $0x1  }
0x414: {  	v3 =	vadd.s32 v1, v3;
	_ =	sdelay $0x1  }
0x415: {  	s30 =	simm.s32 $0x14800  }
0x416: {  	[tilespmem:s30], [sflag:$0x3] =	stream.indirect_vreg.gather [hbm4b:s2+s3], $0x80, v4, vm0, $0xb8;
	[tilespmem:$0x18800] =	vst v63  }
0x417: {  	s30 =	simm.s32 $0x15000  }
0x418: {  	[tilespmem:s30], [sflag:$0x3] =	stream.indirect_vreg.gather [hbm4b:s2+s3], $0x80, v3, vm0, $0xb8;
	[tilespmem:$0x18800] =	vst v63  }
0x419: {  	v3 =	vld [tilespmem:$0x5D0];
	_ =	sdelay $0x4  }
0x41a: {  	v29 =	vshll.u32 v3, $0x1  }
0x41b: {  	v3 =	vand.u32 $0x7, v3;
	v4 =	vand.u32 $0xFFFFFFF0, v29  }
0x41c: {  	v3 =	vor.u32 v3, v4  }
0x41d: {  	v4 =	vperm.xlane v3, v0;
	_ =	sdelay $0x1  }
0x41e: {  	v3 =	vperm.xlane v3, v2;
	v4 =	vadd.s32 v1, v4;
	_ =	sdelay $0x1  }
0x41f: {  	v3 =	vadd.s32 v1, v3;
	_ =	sdelay $0x1  }
0x420: {  	s31 =	simm.s32 $0x15800  }
0x421: {  	[tilespmem:s31], [sflag:$0x3] =	stream.indirect_vreg.gather [hbm4b:s2+s3], $0x80, v4, vm0, $0xb8;
	[tilespmem:$0x18800] =	vst v63  }
0x422: {  	s31 =	simm.s32 $0x16000  }
0x423: {  	[tilespmem:s31], [sflag:$0x3] =	stream.indirect_vreg.gather [hbm4b:s2+s3], $0x80, v3, vm0, $0xb8;
	[tilespmem:$0x18800] =	vst v63  }
0x424: {  	v3 =	vld [tilespmem:$0x5E0];
	_ =	sdelay $0x4  }
0x425: {  	v30 =	vshll.u32 v3, $0x1  }
0x426: {  	v3 =	vand.u32 $0x7, v3;
	v4 =	vand.u32 $0xFFFFFFF0, v30  }
0x427: {  	v3 =	vor.u32 v3, v4  }
0x428: {  	v4 =	vperm.xlane v3, v0;
	_ =	sdelay $0x1  }
0x429: {  	v3 =	vperm.xlane v3, v2;
	v4 =	vadd.s32 v1, v4;
	_ =	sdelay $0x1  }
0x42a: {  	v3 =	vadd.s32 v1, v3;
	_ =	sdelay $0x1  }
0x42b: {  	s21 =	simm.s32 $0x16800  }
0x42c: {  	[tilespmem:s21], [sflag:$0x3] =	stream.indirect_vreg.gather [hbm4b:s2+s3], $0x80, v4, vm0, $0xb8;
	[tilespmem:$0x18800] =	vst v63  }
0x42d: {  	s21 =	simm.s32 $0x17000  }
0x42e: {  	[tilespmem:s21], [sflag:$0x3] =	stream.indirect_vreg.gather [hbm4b:s2+s3], $0x80, v3, vm0, $0xb8;
	[tilespmem:$0x18800] =	vst v63  }
0x42f: {  	v3 =	vld [tilespmem:$0x5F0];
	_ =	sdelay $0x4  }
0x430: {  	v31 =	vshll.u32 v3, $0x1  }
0x431: {  	v3 =	vand.u32 $0x7, v3;
	v4 =	vand.u32 $0xFFFFFFF0, v31  }
0x432: {  	v3 =	vor.u32 v3, v4  }
0x433: {  	v4 =	vperm.xlane v3, v0;
	_ =	sdelay $0x1  }
0x434: {  	v3 =	vperm.xlane v3, v2;
	v4 =	vadd.s32 v1, v4;
	_ =	sdelay $0x1  }
0x435: {  	v3 =	vadd.s32 v1, v3;
	_ =	sdelay $0x1  }
0x436: {  	s21 =	simm.s32 $0x17800  }
0x437: {  	[tilespmem:s21], [sflag:$0x3] =	stream.indirect_vreg.gather [hbm4b:s2+s3], $0x80, v4, vm0, $0xb8;
	[tilespmem:$0x18800] =	vst v63  }
0x438: {  	_ = 	snop  }
0x439: {  	[tilespmem:s10], [sflag:$0x3] =	stream.indirect_vreg.gather [hbm4b:s2+s3], $0x80, v3, vm0, $0xb8;
	[tilespmem:$0x18800] =	vst v63  }
0x43a: {  	_ =	swait.ge [sflag:s5], $0x8000  }
0x43b: {  	[sflag:s5] =	ssyncset.done $0x0  }
0x43c: {  	[sflag:s5] =	ssyncadd.s32 $0xFFFF8000  }
0x43d: {  	v3 =	vld [tilespmem:$0x600];
	_ =	sdelay $0x4  }
0x43e: {  	v32 =	vshll.u32 v3, $0x1  }
0x43f: {  	v3 =	vand.u32 $0x7, v3;
	v4 =	vand.u32 $0xFFFFFFF0, v32  }
0x440: {  	v3 =	vor.u32 v3, v4  }
0x441: {  	v4 =	vperm.xlane v3, v0;
	_ =	sdelay $0x1  }
0x442: {  	v3 =	vperm.xlane v3, v2;
	v4 =	vadd.s32 v1, v4;
	_ =	sdelay $0x1  }
0x443: {  	v3 =	vadd.s32 v1, v3;
	_ =	sdelay $0x2  }
0x444: {  	[tilespmem:s22], [sflag:$0x1] =	stream.indirect_vreg.gather [hbm4b:s2+s3], $0x80, v4, vm0, $0xb8;
	[tilespmem:$0x18800] =	vst v63  }
0x445: {  	s22 =	simm.s32 $0x1000  }
0x446: {  	[tilespmem:s22], [sflag:$0x1] =	stream.indirect_vreg.gather [hbm4b:s2+s3], $0x80, v3, vm0, $0xb8;
	[tilespmem:$0x18800] =	vst v63  }
0x447: {  	v3 =	vld [tilespmem:$0x610];
	_ =	sdelay $0x4  }
0x448: {  	v33 =	vshll.u32 v3, $0x1  }
0x449: {  	v3 =	vand.u32 $0x7, v3;
	v4 =	vand.u32 $0xFFFFFFF0, v33  }
0x44a: {  	v3 =	vor.u32 v3, v4  }
0x44b: {  	v4 =	vperm.xlane v3, v0;
	_ =	sdelay $0x1  }
0x44c: {  	v3 =	vperm.xlane v3, v2;
	v4 =	vadd.s32 v1, v4;
	_ =	sdelay $0x1  }
0x44d: {  	v3 =	vadd.s32 v1, v3;
	_ =	sdelay $0x1  }
0x44e: {  	s22 =	simm.s32 $0x1800  }
0x44f: {  	[tilespmem:s22], [sflag:$0x1] =	stream.indirect_vreg.gather [hbm4b:s2+s3], $0x80, v4, vm0, $0xb8;
	[tilespmem:$0x18800] =	vst v63  }
0x450: {  	s22 =	simm.s32 $0x2000  }
0x451: {  	[tilespmem:s22], [sflag:$0x1] =	stream.indirect_vreg.gather [hbm4b:s2+s3], $0x80, v3, vm0, $0xb8;
	[tilespmem:$0x18800] =	vst v63  }
0x452: {  	v3 =	vld [tilespmem:$0x620];
	_ =	sdelay $0x4  }
0x453: {  	v34 =	vshll.u32 v3, $0x1  }
0x454: {  	v3 =	vand.u32 $0x7, v3;
	v4 =	vand.u32 $0xFFFFFFF0, v34  }
0x455: {  	v3 =	vor.u32 v3, v4  }
0x456: {  	v4 =	vperm.xlane v3, v0;
	_ =	sdelay $0x1  }
0x457: {  	v3 =	vperm.xlane v3, v2;
	v4 =	vadd.s32 v1, v4;
	_ =	sdelay $0x1  }
0x458: {  	v3 =	vadd.s32 v1, v3;
	_ =	sdelay $0x1  }
0x459: {  	s22 =	simm.s32 $0x2800  }
0x45a: {  	[tilespmem:s22], [sflag:$0x1] =	stream.indirect_vreg.gather [hbm4b:s2+s3], $0x80, v4, vm0, $0xb8;
	[tilespmem:$0x18800] =	vst v63  }
0x45b: {  	s22 =	simm.s32 $0x3000  }
0x45c: {  	[tilespmem:s22], [sflag:$0x1] =	stream.indirect_vreg.gather [hbm4b:s2+s3], $0x80, v3, vm0, $0xb8;
	[tilespmem:$0x18800] =	vst v63  }
0x45d: {  	v3 =	vld [tilespmem:$0x630];
	_ =	sdelay $0x4  }
0x45e: {  	v35 =	vshll.u32 v3, $0x1  }
0x45f: {  	v3 =	vand.u32 $0x7, v3;
	v4 =	vand.u32 $0xFFFFFFF0, v35  }
0x460: {  	v3 =	vor.u32 v3, v4  }
0x461: {  	v4 =	vperm.xlane v3, v0;
	_ =	sdelay $0x1  }
0x462: {  	v3 =	vperm.xlane v3, v2;
	v4 =	vadd.s32 v1, v4;
	_ =	sdelay $0x1  }
0x463: {  	v3 =	vadd.s32 v1, v3;
	_ =	sdelay $0x1  }
0x464: {  	s22 =	simm.s32 $0x3800  }
0x465: {  	[tilespmem:s22], [sflag:$0x1] =	stream.indirect_vreg.gather [hbm4b:s2+s3], $0x80, v4, vm0, $0xb8;
	[tilespmem:$0x18800] =	vst v63  }
0x466: {  	s22 =	simm.s32 $0x4000  }
0x467: {  	[tilespmem:s22], [sflag:$0x1] =	stream.indirect_vreg.gather [hbm4b:s2+s3], $0x80, v3, vm0, $0xb8;
	[tilespmem:$0x18800] =	vst v63  }
0x468: {  	v3 =	vld [tilespmem:$0x640];
	_ =	sdelay $0x4  }
0x469: {  	v36 =	vshll.u32 v3, $0x1  }
0x46a: {  	v3 =	vand.u32 $0x7, v3;
	v4 =	vand.u32 $0xFFFFFFF0, v36  }
0x46b: {  	v3 =	vor.u32 v3, v4  }
0x46c: {  	v4 =	vperm.xlane v3, v0;
	_ =	sdelay $0x1  }
0x46d: {  	v3 =	vperm.xlane v3, v2;
	v4 =	vadd.s32 v1, v4;
	_ =	sdelay $0x1  }
0x46e: {  	v3 =	vadd.s32 v1, v3;
	_ =	sdelay $0x1  }
0x46f: {  	s22 =	simm.s32 $0x4800  }
0x470: {  	[tilespmem:s22], [sflag:$0x1] =	stream.indirect_vreg.gather [hbm4b:s2+s3], $0x80, v4, vm0, $0xb8;
	[tilespmem:$0x18800] =	vst v63  }
0x471: {  	s22 =	simm.s32 $0x5000  }
0x472: {  	[tilespmem:s22], [sflag:$0x1] =	stream.indirect_vreg.gather [hbm4b:s2+s3], $0x80, v3, vm0, $0xb8;
	[tilespmem:$0x18800] =	vst v63  }
0x473: {  	v3 =	vld [tilespmem:$0x650];
	_ =	sdelay $0x4  }
0x474: {  	v37 =	vshll.u32 v3, $0x1  }
0x475: {  	v3 =	vand.u32 $0x7, v3;
	v4 =	vand.u32 $0xFFFFFFF0, v37  }
0x476: {  	v3 =	vor.u32 v3, v4  }
0x477: {  	v4 =	vperm.xlane v3, v0;
	_ =	sdelay $0x1  }
0x478: {  	v3 =	vperm.xlane v3, v2;
	v4 =	vadd.s32 v1, v4;
	_ =	sdelay $0x1  }
0x479: {  	v3 =	vadd.s32 v1, v3;
	_ =	sdelay $0x1  }
0x47a: {  	s22 =	simm.s32 $0x5800  }
0x47b: {  	[tilespmem:s22], [sflag:$0x1] =	stream.indirect_vreg.gather [hbm4b:s2+s3], $0x80, v4, vm0, $0xb8;
	[tilespmem:$0x18800] =	vst v63  }
0x47c: {  	s22 =	simm.s32 $0x6000  }
0x47d: {  	[tilespmem:s22], [sflag:$0x1] =	stream.indirect_vreg.gather [hbm4b:s2+s3], $0x80, v3, vm0, $0xb8;
	[tilespmem:$0x18800] =	vst v63  }
0x47e: {  	v3 =	vld [tilespmem:$0x660];
	_ =	sdelay $0x4  }
0x47f: {  	v38 =	vshll.u32 v3, $0x1  }
0x480: {  	v3 =	vand.u32 $0x7, v3;
	v4 =	vand.u32 $0xFFFFFFF0, v38  }
0x481: {  	v3 =	vor.u32 v3, v4  }
0x482: {  	v4 =	vperm.xlane v3, v0;
	_ =	sdelay $0x1  }
0x483: {  	v3 =	vperm.xlane v3, v2;
	v4 =	vadd.s32 v1, v4;
	_ =	sdelay $0x1  }
0x484: {  	v3 =	vadd.s32 v1, v3;
	_ =	sdelay $0x1  }
0x485: {  	s22 =	simm.s32 $0x6800  }
0x486: {  	[tilespmem:s22], [sflag:$0x1] =	stream.indirect_vreg.gather [hbm4b:s2+s3], $0x80, v4, vm0, $0xb8;
	[tilespmem:$0x18800] =	vst v63  }
0x487: {  	s22 =	simm.s32 $0x7000  }
0x488: {  	[tilespmem:s22], [sflag:$0x1] =	stream.indirect_vreg.gather [hbm4b:s2+s3], $0x80, v3, vm0, $0xb8;
	[tilespmem:$0x18800] =	vst v63  }
0x489: {  	v3 =	vld [tilespmem:$0x670];
	_ =	sdelay $0x4  }
0x48a: {  	v39 =	vshll.u32 v3, $0x1  }
0x48b: {  	v3 =	vand.u32 $0x7, v3;
	v4 =	vand.u32 $0xFFFFFFF0, v39  }
0x48c: {  	v3 =	vor.u32 v3, v4  }
0x48d: {  	v4 =	vperm.xlane v3, v0;
	_ =	sdelay $0x1  }
0x48e: {  	v3 =	vperm.xlane v3, v2;
	v4 =	vadd.s32 v1, v4;
	_ =	sdelay $0x1  }
0x48f: {  	v3 =	vadd.s32 v1, v3;
	_ =	sdelay $0x1  }
0x490: {  	s22 =	simm.s32 $0x7800  }
0x491: {  	[tilespmem:s22], [sflag:$0x1] =	stream.indirect_vreg.gather [hbm4b:s2+s3], $0x80, v4, vm0, $0xb8;
	[tilespmem:$0x18800] =	vst v63  }
0x492: {  	s22 =	simm.s32 $0x8000  }
0x493: {  	[tilespmem:s22], [sflag:$0x1] =	stream.indirect_vreg.gather [hbm4b:s2+s3], $0x80, v3, vm0, $0xb8;
	[tilespmem:$0x18800] =	vst v63  }
0x494: {  	_ =	swait.ge [sflag:s0], $0x8000  }
0x495: {  	[sflag:s0] =	ssyncset.done $0x0  }
0x496: {  	[sflag:s0] =	ssyncadd.s32 $0xFFFF8000  }
0x497: {  	v3 =	vld [tilespmem:$0x680];
	_ =	sdelay $0x4  }
0x498: {  	v40 =	vshll.u32 v3, $0x1  }
0x499: {  	v3 =	vand.u32 $0x7, v3;
	v4 =	vand.u32 $0xFFFFFFF0, v40  }
0x49a: {  	v3 =	vor.u32 v3, v4  }
0x49b: {  	v4 =	vperm.xlane v3, v0;
	_ =	sdelay $0x1  }
0x49c: {  	v3 =	vperm.xlane v3, v2;
	v4 =	vadd.s32 v1, v4;
	_ =	sdelay $0x1  }
0x49d: {  	v3 =	vadd.s32 v1, v3;
	_ =	sdelay $0x1  }
0x49e: {  	s14 =	simm.s32 $0x8800  }
0x49f: {  	[tilespmem:s14], [sflag:$0x2] =	stream.indirect_vreg.gather [hbm4b:s2+s3], $0x80, v4, vm0, $0xb8;
	[tilespmem:$0x18800] =	vst v63  }
0x4a0: {  	s14 =	simm.s32 $0x9000  }
0x4a1: {  	[tilespmem:s14], [sflag:$0x2] =	stream.indirect_vreg.gather [hbm4b:s2+s3], $0x80, v3, vm0, $0xb8;
	[tilespmem:$0x18800] =	vst v63  }
0x4a2: {  	v3 =	vld [tilespmem:$0x690];
	_ =	sdelay $0x4  }
0x4a3: {  	v41 =	vshll.u32 v3, $0x1  }
0x4a4: {  	v3 =	vand.u32 $0x7, v3;
	v4 =	vand.u32 $0xFFFFFFF0, v41  }
0x4a5: {  	v3 =	vor.u32 v3, v4  }
0x4a6: {  	v4 =	vperm.xlane v3, v0;
	_ =	sdelay $0x1  }
0x4a7: {  	v3 =	vperm.xlane v3, v2;
	v4 =	vadd.s32 v1, v4;
	_ =	sdelay $0x1  }
0x4a8: {  	v3 =	vadd.s32 v1, v3;
	_ =	sdelay $0x1  }
0x4a9: {  	s15 =	simm.s32 $0x9800  }
0x4aa: {  	[tilespmem:s15], [sflag:$0x2] =	stream.indirect_vreg.gather [hbm4b:s2+s3], $0x80, v4, vm0, $0xb8;
	[tilespmem:$0x18800] =	vst v63  }
0x4ab: {  	s15 =	simm.s32 $0xA000  }
0x4ac: {  	[tilespmem:s15], [sflag:$0x2] =	stream.indirect_vreg.gather [hbm4b:s2+s3], $0x80, v3, vm0, $0xb8;
	[tilespmem:$0x18800] =	vst v63  }
0x4ad: {  	v3 =	vld [tilespmem:$0x6A0];
	_ =	sdelay $0x4  }
0x4ae: {  	v42 =	vshll.u32 v3, $0x1  }
0x4af: {  	v3 =	vand.u32 $0x7, v3;
	v4 =	vand.u32 $0xFFFFFFF0, v42  }
0x4b0: {  	v3 =	vor.u32 v3, v4  }
0x4b1: {  	v4 =	vperm.xlane v3, v0;
	_ =	sdelay $0x1  }
0x4b2: {  	v3 =	vperm.xlane v3, v2;
	v4 =	vadd.s32 v1, v4;
	_ =	sdelay $0x1  }
0x4b3: {  	v3 =	vadd.s32 v1, v3;
	_ =	sdelay $0x1  }
0x4b4: {  	s16 =	simm.s32 $0xA800  }
0x4b5: {  	[tilespmem:s16], [sflag:$0x2] =	stream.indirect_vreg.gather [hbm4b:s2+s3], $0x80, v4, vm0, $0xb8;
	[tilespmem:$0x18800] =	vst v63  }
0x4b6: {  	s15 =	simm.s32 $0xB000  }
0x4b7: {  	[tilespmem:s15], [sflag:$0x2] =	stream.indirect_vreg.gather [hbm4b:s2+s3], $0x80, v3, vm0, $0xb8;
	[tilespmem:$0x18800] =	vst v63  }
0x4b8: {  	v3 =	vld [tilespmem:$0x6B0];
	_ =	sdelay $0x4  }
0x4b9: {  	v43 =	vshll.u32 v3, $0x1  }
0x4ba: {  	v3 =	vand.u32 $0x7, v3;
	v4 =	vand.u32 $0xFFFFFFF0, v43  }
0x4bb: {  	v3 =	vor.u32 v3, v4  }
0x4bc: {  	v4 =	vperm.xlane v3, v0;
	_ =	sdelay $0x1  }
0x4bd: {  	v3 =	vperm.xlane v3, v2;
	v4 =	vadd.s32 v1, v4;
	_ =	sdelay $0x1  }
0x4be: {  	v3 =	vadd.s32 v1, v3;
	_ =	sdelay $0x1  }
0x4bf: {  	s12 =	simm.s32 $0xB800  }
0x4c0: {  	[tilespmem:s12], [sflag:$0x2] =	stream.indirect_vreg.gather [hbm4b:s2+s3], $0x80, v4, vm0, $0xb8;
	[tilespmem:$0x18800] =	vst v63  }
0x4c1: {  	s16 =	simm.s32 $0xC000  }
0x4c2: {  	[tilespmem:s16], [sflag:$0x2] =	stream.indirect_vreg.gather [hbm4b:s2+s3], $0x80, v3, vm0, $0xb8;
	[tilespmem:$0x18800] =	vst v63  }
0x4c3: {  	v3 =	vld [tilespmem:$0x6C0];
	_ =	sdelay $0x4  }
0x4c4: {  	v44 =	vshll.u32 v3, $0x1  }
0x4c5: {  	v3 =	vand.u32 $0x7, v3;
	v4 =	vand.u32 $0xFFFFFFF0, v44  }
0x4c6: {  	v3 =	vor.u32 v3, v4  }
0x4c7: {  	v4 =	vperm.xlane v3, v0;
	_ =	sdelay $0x1  }
0x4c8: {  	v3 =	vperm.xlane v3, v2;
	v4 =	vadd.s32 v1, v4;
	_ =	sdelay $0x1  }
0x4c9: {  	v3 =	vadd.s32 v1, v3;
	_ =	sdelay $0x1  }
0x4ca: {  	s13 =	simm.s32 $0xC800  }
0x4cb: {  	[tilespmem:s13], [sflag:$0x2] =	stream.indirect_vreg.gather [hbm4b:s2+s3], $0x80, v4, vm0, $0xb8;
	[tilespmem:$0x18800] =	vst v63  }
0x4cc: {  	s11 =	simm.s32 $0xD000  }
0x4cd: {  	[tilespmem:s11], [sflag:$0x2] =	stream.indirect_vreg.gather [hbm4b:s2+s3], $0x80, v3, vm0, $0xb8;
	[tilespmem:$0x18800] =	vst v63  }
0x4ce: {  	v3 =	vld [tilespmem:$0x6D0];
	_ =	sdelay $0x4  }
0x4cf: {  	v45 =	vshll.u32 v3, $0x1  }
0x4d0: {  	v3 =	vand.u32 $0x7, v3;
	v4 =	vand.u32 $0xFFFFFFF0, v45  }
0x4d1: {  	v3 =	vor.u32 v3, v4  }
0x4d2: {  	v4 =	vperm.xlane v3, v0;
	_ =	sdelay $0x1  }
0x4d3: {  	v3 =	vperm.xlane v3, v2;
	v4 =	vadd.s32 v1, v4;
	_ =	sdelay $0x1  }
0x4d4: {  	v3 =	vadd.s32 v1, v3;
	_ =	sdelay $0x1  }
0x4d5: {  	s17 =	simm.s32 $0xD800  }
0x4d6: {  	[tilespmem:s17], [sflag:$0x2] =	stream.indirect_vreg.gather [hbm4b:s2+s3], $0x80, v4, vm0, $0xb8;
	[tilespmem:$0x18800] =	vst v63  }
0x4d7: {  	s4 =	simm.s32 $0xE000  }
0x4d8: {  	[tilespmem:s4], [sflag:$0x2] =	stream.indirect_vreg.gather [hbm4b:s2+s3], $0x80, v3, vm0, $0xb8;
	[tilespmem:$0x18800] =	vst v63  }
0x4d9: {  	v3 =	vld [tilespmem:$0x6E0];
	_ =	sdelay $0x4  }
0x4da: {  	v46 =	vshll.u32 v3, $0x1  }
0x4db: {  	v3 =	vand.u32 $0x7, v3;
	v4 =	vand.u32 $0xFFFFFFF0, v46  }
0x4dc: {  	v3 =	vor.u32 v3, v4  }
0x4dd: {  	v4 =	vperm.xlane v3, v0;
	_ =	sdelay $0x1  }
0x4de: {  	v3 =	vperm.xlane v3, v2;
	v4 =	vadd.s32 v1, v4;
	_ =	sdelay $0x1  }
0x4df: {  	v3 =	vadd.s32 v1, v3;
	_ =	sdelay $0x1  }
0x4e0: {  	s18 =	simm.s32 $0xE800  }
0x4e1: {  	[tilespmem:s18], [sflag:$0x2] =	stream.indirect_vreg.gather [hbm4b:s2+s3], $0x80, v4, vm0, $0xb8;
	[tilespmem:$0x18800] =	vst v63  }
0x4e2: {  	s6 =	simm.s32 $0xF000  }
0x4e3: {  	[tilespmem:s6], [sflag:$0x2] =	stream.indirect_vreg.gather [hbm4b:s2+s3], $0x80, v3, vm0, $0xb8;
	[tilespmem:$0x18800] =	vst v63  }
0x4e4: {  	v3 =	vld [tilespmem:$0x6F0];
	_ =	sdelay $0x4  }
0x4e5: {  	v47 =	vshll.u32 v3, $0x1  }
0x4e6: {  	v3 =	vand.u32 $0x7, v3;
	v4 =	vand.u32 $0xFFFFFFF0, v47  }
0x4e7: {  	v3 =	vor.u32 v3, v4  }
0x4e8: {  	v4 =	vperm.xlane v3, v0;
	_ =	sdelay $0x1  }
0x4e9: {  	v3 =	vperm.xlane v3, v2;
	v4 =	vadd.s32 v1, v4;
	_ =	sdelay $0x1  }
0x4ea: {  	v3 =	vadd.s32 v1, v3;
	_ =	sdelay $0x1  }
0x4eb: {  	s20 =	simm.s32 $0xF800  }
0x4ec: {  	[tilespmem:s20], [sflag:$0x2] =	stream.indirect_vreg.gather [hbm4b:s2+s3], $0x80, v4, vm0, $0xb8;
	[tilespmem:$0x18800] =	vst v63  }
0x4ed: {  	s7 =	simm.s32 $0x10000  }
0x4ee: {  	[tilespmem:s7], [sflag:$0x2] =	stream.indirect_vreg.gather [hbm4b:s2+s3], $0x80, v3, vm0, $0xb8;
	[tilespmem:$0x18800] =	vst v63  }
0x4ef: {  	_ =	swait.ge [sflag:s26], $0x8000  }
0x4f0: {  	[sflag:s26] =	ssyncset.done $0x0  }
0x4f1: {  	[sflag:s26] =	ssyncadd.s32 $0xFFFF8000  }
0x4f2: {  	v3 =	vld [tilespmem:$0x700];
	_ =	sdelay $0x4  }
0x4f3: {  	v48 =	vshll.u32 v3, $0x1  }
0x4f4: {  	v3 =	vand.u32 $0x7, v3;
	v4 =	vand.u32 $0xFFFFFFF0, v48  }
0x4f5: {  	v3 =	vor.u32 v3, v4  }
0x4f6: {  	v4 =	vperm.xlane v3, v0;
	_ =	sdelay $0x1  }
0x4f7: {  	v3 =	vperm.xlane v3, v2;
	v4 =	vadd.s32 v1, v4;
	_ =	sdelay $0x1  }
0x4f8: {  	v3 =	vadd.s32 v1, v3;
	_ =	sdelay $0x1  }
0x4f9: {  	s23 =	simm.s32 $0x10800  }
0x4fa: {  	[tilespmem:s23], [sflag:$0x3] =	stream.indirect_vreg.gather [hbm4b:s2+s3], $0x80, v4, vm0, $0xb8;
	[tilespmem:$0x18800] =	vst v63  }
0x4fb: {  	s8 =	simm.s32 $0x11000  }
0x4fc: {  	[tilespmem:s8], [sflag:$0x3] =	stream.indirect_vreg.gather [hbm4b:s2+s3], $0x80, v3, vm0, $0xb8;
	[tilespmem:$0x18800] =	vst v63  }
0x4fd: {  	v3 =	vld [tilespmem:$0x710];
	_ =	sdelay $0x4  }
0x4fe: {  	v49 =	vshll.u32 v3, $0x1  }
0x4ff: {  	v3 =	vand.u32 $0x7, v3;
	v4 =	vand.u32 $0xFFFFFFF0, v49  }
0x500: {  	v3 =	vor.u32 v3, v4  }
0x501: {  	v4 =	vperm.xlane v3, v0;
	_ =	sdelay $0x1  }
0x502: {  	v3 =	vperm.xlane v3, v2;
	v4 =	vadd.s32 v1, v4;
	_ =	sdelay $0x1  }
0x503: {  	v3 =	vadd.s32 v1, v3;
	_ =	sdelay $0x1  }
0x504: {  	s24 =	simm.s32 $0x11800  }
0x505: {  	[tilespmem:s24], [sflag:$0x3] =	stream.indirect_vreg.gather [hbm4b:s2+s3], $0x80, v4, vm0, $0xb8;
	[tilespmem:$0x18800] =	vst v63  }
0x506: {  	s9 =	simm.s32 $0x12000  }
0x507: {  	[tilespmem:s9], [sflag:$0x3] =	stream.indirect_vreg.gather [hbm4b:s2+s3], $0x80, v3, vm0, $0xb8;
	[tilespmem:$0x18800] =	vst v63  }
0x508: {  	v3 =	vld [tilespmem:$0x720];
	_ =	sdelay $0x4  }
0x509: {  	v50 =	vshll.u32 v3, $0x1  }
0x50a: {  	v3 =	vand.u32 $0x7, v3;
	v4 =	vand.u32 $0xFFFFFFF0, v50  }
0x50b: {  	v3 =	vor.u32 v3, v4  }
0x50c: {  	v4 =	vperm.xlane v3, v0;
	_ =	sdelay $0x1  }
0x50d: {  	v3 =	vperm.xlane v3, v2;
	v4 =	vadd.s32 v1, v4;
	_ =	sdelay $0x1  }
0x50e: {  	v3 =	vadd.s32 v1, v3;
	_ =	sdelay $0x1  }
0x50f: {  	s25 =	simm.s32 $0x12800  }
0x510: {  	[tilespmem:s25], [sflag:$0x3] =	stream.indirect_vreg.gather [hbm4b:s2+s3], $0x80, v4, vm0, $0xb8;
	[tilespmem:$0x18800] =	vst v63  }
0x511: {  	s19 =	simm.s32 $0x13000  }
0x512: {  	[tilespmem:s19], [sflag:$0x3] =	stream.indirect_vreg.gather [hbm4b:s2+s3], $0x80, v3, vm0, $0xb8;
	[tilespmem:$0x18800] =	vst v63  }
0x513: {  	v3 =	vld [tilespmem:$0x730];
	_ =	sdelay $0x4  }
0x514: {  	v51 =	vshll.u32 v3, $0x1  }
0x515: {  	v3 =	vand.u32 $0x7, v3;
	v4 =	vand.u32 $0xFFFFFFF0, v51  }
0x516: {  	v3 =	vor.u32 v3, v4  }
0x517: {  	v4 =	vperm.xlane v3, v0;
	_ =	sdelay $0x1  }
0x518: {  	v3 =	vperm.xlane v3, v2;
	v4 =	vadd.s32 v1, v4;
	_ =	sdelay $0x1  }
0x519: {  	v3 =	vadd.s32 v1, v3;
	_ =	sdelay $0x1  }
0x51a: {  	s28 =	simm.s32 $0x13800  }
0x51b: {  	[tilespmem:s28], [sflag:$0x3] =	stream.indirect_vreg.gather [hbm4b:s2+s3], $0x80, v4, vm0, $0xb8;
	[tilespmem:$0x18800] =	vst v63  }
0x51c: {  	s7 =	simm.s32 $0x14000  }
0x51d: {  	[tilespmem:s7], [sflag:$0x3] =	stream.indirect_vreg.gather [hbm4b:s2+s3], $0x80, v3, vm0, $0xb8;
	[tilespmem:$0x18800] =	vst v63  }
0x51e: {  	v3 =	vld [tilespmem:$0x740];
	_ =	sdelay $0x4  }
0x51f: {  	v52 =	vshll.u32 v3, $0x1  }
0x520: {  	v3 =	vand.u32 $0x7, v3;
	v4 =	vand.u32 $0xFFFFFFF0, v52  }
0x521: {  	v3 =	vor.u32 v3, v4  }
0x522: {  	v4 =	vperm.xlane v3, v0;
	_ =	sdelay $0x1  }
0x523: {  	v3 =	vperm.xlane v3, v2;
	v4 =	vadd.s32 v1, v4;
	_ =	sdelay $0x1  }
0x524: {  	v3 =	vadd.s32 v1, v3;
	_ =	sdelay $0x1  }
0x525: {  	s29 =	simm.s32 $0x14800  }
0x526: {  	[tilespmem:s29], [sflag:$0x3] =	stream.indirect_vreg.gather [hbm4b:s2+s3], $0x80, v4, vm0, $0xb8;
	[tilespmem:$0x18800] =	vst v63  }
0x527: {  	s8 =	simm.s32 $0x15000  }
0x528: {  	[tilespmem:s8], [sflag:$0x3] =	stream.indirect_vreg.gather [hbm4b:s2+s3], $0x80, v3, vm0, $0xb8;
	[tilespmem:$0x18800] =	vst v63  }
0x529: {  	v3 =	vld [tilespmem:$0x750];
	_ =	sdelay $0x4  }
0x52a: {  	v53 =	vshll.u32 v3, $0x1  }
0x52b: {  	v3 =	vand.u32 $0x7, v3;
	v4 =	vand.u32 $0xFFFFFFF0, v53  }
0x52c: {  	v3 =	vor.u32 v3, v4  }
0x52d: {  	v4 =	vperm.xlane v3, v0;
	_ =	sdelay $0x1  }
0x52e: {  	v3 =	vperm.xlane v3, v2;
	v4 =	vadd.s32 v1, v4;
	_ =	sdelay $0x1  }
0x52f: {  	v3 =	vadd.s32 v1, v3;
	_ =	sdelay $0x1  }
0x530: {  	s30 =	simm.s32 $0x15800  }
0x531: {  	[tilespmem:s30], [sflag:$0x3] =	stream.indirect_vreg.gather [hbm4b:s2+s3], $0x80, v4, vm0, $0xb8;
	[tilespmem:$0x18800] =	vst v63  }
0x532: {  	s9 =	simm.s32 $0x16000  }
0x533: {  	[tilespmem:s9], [sflag:$0x3] =	stream.indirect_vreg.gather [hbm4b:s2+s3], $0x80, v3, vm0, $0xb8;
	[tilespmem:$0x18800] =	vst v63  }
0x534: {  	v3 =	vld [tilespmem:$0x760];
	_ =	sdelay $0x4  }
0x535: {  	v54 =	vshll.u32 v3, $0x1  }
0x536: {  	v3 =	vand.u32 $0x7, v3;
	v4 =	vand.u32 $0xFFFFFFF0, v54  }
0x537: {  	v3 =	vor.u32 v3, v4  }
0x538: {  	v4 =	vperm.xlane v3, v0;
	_ =	sdelay $0x1  }
0x539: {  	v3 =	vperm.xlane v3, v2;
	v4 =	vadd.s32 v1, v4;
	_ =	sdelay $0x1  }
0x53a: {  	v3 =	vadd.s32 v1, v3;
	_ =	sdelay $0x1  }
0x53b: {  	s31 =	simm.s32 $0x16800  }
0x53c: {  	[tilespmem:s31], [sflag:$0x3] =	stream.indirect_vreg.gather [hbm4b:s2+s3], $0x80, v4, vm0, $0xb8;
	[tilespmem:$0x18800] =	vst v63  }
0x53d: {  	s11 =	simm.s32 $0x17000  }
0x53e: {  	[tilespmem:s11], [sflag:$0x3] =	stream.indirect_vreg.gather [hbm4b:s2+s3], $0x80, v3, vm0, $0xb8;
	[tilespmem:$0x18800] =	vst v63  }
0x53f: {  	v3 =	vld [tilespmem:$0x770];
	_ =	sdelay $0x4  }
0x540: {  	v55 =	vshll.u32 v3, $0x1  }
0x541: {  	v3 =	vand.u32 $0x7, v3;
	v4 =	vand.u32 $0xFFFFFFF0, v55  }
0x542: {  	v3 =	vor.u32 v3, v4  }
0x543: {  	v4 =	vperm.xlane v3, v0;
	_ =	sdelay $0x1  }
0x544: {  	v3 =	vperm.xlane v3, v2;
	v4 =	vadd.s32 v1, v4;
	_ =	sdelay $0x1  }
0x545: {  	v3 =	vadd.s32 v1, v3;
	_ =	sdelay $0x1  }
0x546: {  	s21 =	simm.s32 $0x17800  }
0x547: {  	[tilespmem:s21], [sflag:$0x3] =	stream.indirect_vreg.gather [hbm4b:s2+s3], $0x80, v4, vm0, $0xb8;
	[tilespmem:$0x18800] =	vst v63  }
0x548: {  	s10 =	simm.s32 $0x18000  }
0x549: {  	[tilespmem:s10], [sflag:$0x3] =	stream.indirect_vreg.gather [hbm4b:s2+s3], $0x80, v3, vm0, $0xb8;
	[tilespmem:$0x18800] =	vst v63  }
0x54a: {  	_ =	swait.ge [sflag:s5], $0x8000  }
0x54b: {  	[sflag:s5] =	ssyncset.done $0x0  }
0x54c: {  	[sflag:s5] =	ssyncadd.s32 $0xFFFF8000  }
0x54d: {  	v3 =	vld [tilespmem:$0x780];
	_ =	sdelay $0x4  }
0x54e: {  	v56 =	vshll.u32 v3, $0x1  }
0x54f: {  	v3 =	vand.u32 $0x7, v3;
	v4 =	vand.u32 $0xFFFFFFF0, v56  }
0x550: {  	v3 =	vor.u32 v3, v4  }
0x551: {  	v4 =	vperm.xlane v3, v0;
	_ =	sdelay $0x1  }
0x552: {  	v3 =	vperm.xlane v3, v2;
	v4 =	vadd.s32 v1, v4;
	_ =	sdelay $0x1  }
0x553: {  	v3 =	vadd.s32 v1, v3;
	_ =	sdelay $0x1  }
0x554: {  	s1 =	simm.s32 $0x800  }
0x555: {  	[tilespmem:s1], [sflag:$0x1] =	stream.indirect_vreg.gather [hbm4b:s2+s3], $0x80, v4, vm0, $0xb8;
	[tilespmem:$0x18800] =	vst v63  }
0x556: {  	s12 =	simm.s32 $0x1000  }
0x557: {  	[tilespmem:s12], [sflag:$0x1] =	stream.indirect_vreg.gather [hbm4b:s2+s3], $0x80, v3, vm0, $0xb8;
	[tilespmem:$0x18800] =	vst v63  }
0x558: {  	v3 =	vld [tilespmem:$0x790];
	_ =	sdelay $0x4  }
0x559: {  	v57 =	vshll.u32 v3, $0x1  }
0x55a: {  	v3 =	vand.u32 $0x7, v3;
	v4 =	vand.u32 $0xFFFFFFF0, v57  }
0x55b: {  	v3 =	vor.u32 v3, v4  }
0x55c: {  	v4 =	vperm.xlane v3, v0;
	_ =	sdelay $0x1  }
0x55d: {  	v3 =	vperm.xlane v3, v2;
	v4 =	vadd.s32 v1, v4;
	_ =	sdelay $0x1  }
0x55e: {  	v3 =	vadd.s32 v1, v3;
	_ =	sdelay $0x1  }
0x55f: {  	s13 =	simm.s32 $0x1800  }
0x560: {  	[tilespmem:s13], [sflag:$0x1] =	stream.indirect_vreg.gather [hbm4b:s2+s3], $0x80, v4, vm0, $0xb8;
	[tilespmem:$0x18800] =	vst v63  }
0x561: {  	s14 =	simm.s32 $0x2000  }
0x562: {  	[tilespmem:s14], [sflag:$0x1] =	stream.indirect_vreg.gather [hbm4b:s2+s3], $0x80, v3, vm0, $0xb8;
	[tilespmem:$0x18800] =	vst v63  }
0x563: {  	v3 =	vld [tilespmem:$0x7A0];
	_ =	sdelay $0x4  }
0x564: {  	v58 =	vshll.u32 v3, $0x1  }
0x565: {  	v3 =	vand.u32 $0x7, v3;
	v4 =	vand.u32 $0xFFFFFFF0, v58  }
0x566: {  	v3 =	vor.u32 v3, v4  }
0x567: {  	v4 =	vperm.xlane v3, v0;
	_ =	sdelay $0x1  }
0x568: {  	v3 =	vperm.xlane v3, v2;
	v4 =	vadd.s32 v1, v4;
	_ =	sdelay $0x1  }
0x569: {  	v3 =	vadd.s32 v1, v3;
	_ =	sdelay $0x1  }
0x56a: {  	s15 =	simm.s32 $0x2800  }
0x56b: {  	[tilespmem:s15], [sflag:$0x1] =	stream.indirect_vreg.gather [hbm4b:s2+s3], $0x80, v4, vm0, $0xb8;
	[tilespmem:$0x18800] =	vst v63  }
0x56c: {  	s17 =	simm.s32 $0x3000  }
0x56d: {  	[tilespmem:s17], [sflag:$0x1] =	stream.indirect_vreg.gather [hbm4b:s2+s3], $0x80, v3, vm0, $0xb8;
	[tilespmem:$0x18800] =	vst v63  }
0x56e: {  	v3 =	vld [tilespmem:$0x7B0];
	_ =	sdelay $0x4  }
0x56f: {  	v59 =	vshll.u32 v3, $0x1  }
0x570: {  	v3 =	vand.u32 $0x7, v3;
	v4 =	vand.u32 $0xFFFFFFF0, v59  }
0x571: {  	v3 =	vor.u32 v3, v4  }
0x572: {  	v4 =	vperm.xlane v3, v0;
	_ =	sdelay $0x1  }
0x573: {  	v3 =	vperm.xlane v3, v2;
	v4 =	vadd.s32 v1, v4;
	_ =	sdelay $0x1  }
0x574: {  	v3 =	vadd.s32 v1, v3;
	_ =	sdelay $0x1  }
0x575: {  	s18 =	simm.s32 $0x3800  }
0x576: {  	[tilespmem:s18], [sflag:$0x1] =	stream.indirect_vreg.gather [hbm4b:s2+s3], $0x80, v4, vm0, $0xb8;
	[tilespmem:$0x18800] =	vst v63  }
0x577: {  	s19 =	simm.s32 $0x4000  }
0x578: {  	[tilespmem:s19], [sflag:$0x1] =	stream.indirect_vreg.gather [hbm4b:s2+s3], $0x80, v3, vm0, $0xb8;
	[tilespmem:$0x18800] =	vst v63  }
0x579: {  	v3 =	vld [tilespmem:$0x7C0];
	_ =	sdelay $0x4  }
0x57a: {  	v60 =	vshll.u32 v3, $0x1  }
0x57b: {  	v3 =	vand.u32 $0x7, v3;
	v4 =	vand.u32 $0xFFFFFFF0, v60  }
0x57c: {  	v3 =	vor.u32 v3, v4  }
0x57d: {  	v4 =	vperm.xlane v3, v0;
	_ =	sdelay $0x1  }
0x57e: {  	v3 =	vperm.xlane v3, v2;
	v4 =	vadd.s32 v1, v4;
	_ =	sdelay $0x1  }
0x57f: {  	v3 =	vadd.s32 v1, v3;
	_ =	sdelay $0x1  }
0x580: {  	s20 =	simm.s32 $0x4800  }
0x581: {  	[tilespmem:s20], [sflag:$0x1] =	stream.indirect_vreg.gather [hbm4b:s2+s3], $0x80, v4, vm0, $0xb8;
	[tilespmem:$0x18800] =	vst v63  }
0x582: {  	s21 =	simm.s32 $0x5000  }
0x583: {  	[tilespmem:s21], [sflag:$0x1] =	stream.indirect_vreg.gather [hbm4b:s2+s3], $0x80, v3, vm0, $0xb8;
	[tilespmem:$0x18800] =	vst v63  }
0x584: {  	v3 =	vld [tilespmem:$0x7D0];
	_ =	sdelay $0x4  }
0x585: {  	v61 =	vshll.u32 v3, $0x1  }
0x586: {  	v3 =	vand.u32 $0x7, v3;
	v4 =	vand.u32 $0xFFFFFFF0, v61  }
0x587: {  	v3 =	vor.u32 v3, v4  }
0x588: {  	v4 =	vperm.xlane v3, v0;
	_ =	sdelay $0x1  }
0x589: {  	v3 =	vperm.xlane v3, v2;
	v4 =	vadd.s32 v1, v4;
	_ =	sdelay $0x1  }
0x58a: {  	v3 =	vadd.s32 v1, v3;
	_ =	sdelay $0x1  }
0x58b: {  	s23 =	simm.s32 $0x5800  }
0x58c: {  	[tilespmem:s23], [sflag:$0x1] =	stream.indirect_vreg.gather [hbm4b:s2+s3], $0x80, v4, vm0, $0xb8;
	[tilespmem:$0x18800] =	vst v63  }
0x58d: {  	s24 =	simm.s32 $0x6000  }
0x58e: {  	[tilespmem:s24], [sflag:$0x1] =	stream.indirect_vreg.gather [hbm4b:s2+s3], $0x80, v3, vm0, $0xb8;
	[tilespmem:$0x18800] =	vst v63  }
0x58f: {  	v3 =	vld [tilespmem:$0x7E0];
	_ =	sdelay $0x4  }
0x590: {  	v62 =	vshll.u32 v3, $0x1  }
0x591: {  	v3 =	vand.u32 $0x7, v3;
	v4 =	vand.u32 $0xFFFFFFF0, v62  }
0x592: {  	v3 =	vor.u32 v3, v4  }
0x593: {  	v4 =	vperm.xlane v3, v0;
	_ =	sdelay $0x1  }
0x594: {  	v3 =	vperm.xlane v3, v2;
	v4 =	vadd.s32 v1, v4;
	_ =	sdelay $0x1  }
0x595: {  	v3 =	vadd.s32 v1, v3;
	_ =	sdelay $0x1  }
0x596: {  	s25 =	simm.s32 $0x6800  }
0x597: {  	[tilespmem:s25], [sflag:$0x1] =	stream.indirect_vreg.gather [hbm4b:s2+s3], $0x80, v4, vm0, $0xb8;
	[tilespmem:$0x18800] =	vst v63  }
0x598: {  	s28 =	simm.s32 $0x7000  }
0x599: {  	[tilespmem:s28], [sflag:$0x1] =	stream.indirect_vreg.gather [hbm4b:s2+s3], $0x80, v3, vm0, $0xb8;
	[tilespmem:$0x18800] =	vst v63  }
0x59a: {  	v3 =	vld [tilespmem:$0x7F0];
	_ =	sdelay $0x4  }
0x59b: {  	v63 =	vshll.u32 v3, $0x1  }
0x59c: {  	v3 =	vand.u32 $0x7, v3;
	v4 =	vand.u32 $0xFFFFFFF0, v63  }
0x59d: {  	v3 =	vor.u32 v3, v4  }
0x59e: {  	v4 =	vperm.xlane v3, v0;
	_ =	sdelay $0x1  }
0x59f: {  	v3 =	vperm.xlane v3, v2;
	v4 =	vadd.s32 v1, v4;
	_ =	sdelay $0x1  }
0x5a0: {  	v3 =	vadd.s32 v1, v3;
	_ =	sdelay $0x1  }
0x5a1: {  	s29 =	simm.s32 $0x7800  }
0x5a2: {  	[tilespmem:s29], [sflag:$0x1] =	stream.indirect_vreg.gather [hbm4b:s2+s3], $0x80, v4, vm0, $0xb8;
	[tilespmem:$0x18800] =	vst v63  }
0x5a3: {  	s22 =	simm.s32 $0x8000  }
0x5a4: {  	[tilespmem:s22], [sflag:$0x1] =	stream.indirect_vreg.gather [hbm4b:s2+s3], $0x80, v3, vm0, $0xb8;
	[tilespmem:$0x18800] =	vst v63  }
0x5a5: {  	s16 =	rddreg [dreg:$0x6];
	_ =	swait.ge [sflag:s0], $0x8000  }
0x5a6: {  	[sflag:s0] =	ssyncset.done $0x0  }
0x5a7: {  	[sflag:s0] =	ssyncadd.s32 $0xFFFF8000  }
0x5a8: {  	_ =	swait.ge [sflag:s26], $0x8000  }
0x5a9: {  	s31 =	simm.s32 $0x4;
	p0 =	sne.s32 s16, $0x1;
	[sflag:s26] =	ssyncset.done $0x0  }
.Ltmp0:
0x5aa: {  	s30 =	rddreg [dreg:$0x5];
	[sflag:s26] =	ssyncadd.s32 $0xFFFF8000;
	(pc) =	sbr.rel @p0 .LBB2_1-.Ltmp0, $4  }
0x5ab: {  	[hbm4b:s30+s3] =	stream.linear.scatter [tilespmem:s1], [sflag:$0x4], $0x8000, $0x38;
	[tilespmem:$0x18800] =	vst v63  }
0x5ac: {  	_ =	swait.ge [sflag:s31], $0x8000  }
0x5ad: {  	[sflag:s31] =	ssyncset.done $0x0  }
0x5ae: {  	s4 =	sadd.s32 $0xFFFFFFFF, s16;
	[sflag:s31] =	ssyncadd.s32 $0xFFFF8000  }
0x5af: {  	_ =	sfence.sel $0x180000  }
0x5b0: {  	[bflag:$0x0] =	sbarrier.arrive $0xFFFF  }
0x5b1: {  	_ =	strace $0x90000047  }
0x5b2: {  	s0 =	stileid.u32;
	[bflag:$0x2] =	sbarrier.arrive $0xFFFF  }
0x5b3: {  	p0 =	sne.s32 s0, $0x0;
	s0 =	rddreg [dreg:$0x3]  }
0x5b4: {  	s0 =	sadd.s32 @!p0 $0x100000, s0  }
0x5b5: {  	[sflag:s0] =	ssyncadd.tile.s32 @!p0 $0x1;
	_ =	shalt  }
.Lfunc_end2:
_tile_overlayer_lowered:
.L_overlay_start_2:
0x5b6: {  	(tag) =	ssettag $0x2  }
0x5b7: {  	s0 =	rddreg [dreg:$0x0];
	s2 =	stileid.u32  }
0x5b8: {  	s1 =	rddreg [dreg:$0x1];
	p0 =	sne.s32 s2, $0x0  }
0x5b9: {  	s3 =	rddreg [dreg:$0x2];
	[bflag:$0x3] =	sbarrier.arrive $0xFFFF;
	s2 =	simm.s32 @!p0 $0x1C05  }
0x5ba: {  	[timem:s3], [sflag:s2] =	dma.local @!p0 [hbm:s0], s1  }
0x5bb: {  	s0 =	simm.s32 @!p0 $0x5  }
0x5bc: {  	_ =	swait.ge @!p0 [sflag:s0], s1  }
0x5bd: {  	s1 =	ssub.s32 @!p0 $0x0, s1;
	[sflag:s0] =	ssyncset.done @!p0 $0x0  }
0x5be: {  	[sflag:s0] =	ssyncadd.s32 @!p0 s1  }
0x5bf: {  	[bflag:$0x3] =	sbarrier.arrive $0xFFFF  }
0x5c0: {  	_ =	shalt  }

</sc_bundles>
